<compile_context>
chip_gen: v7x
topology: tpu7x:2x2x1
jax: 0.10.2.dev20260603
libtpu: 0.0.44.dev20260713+nightly
codegen_flags: <defaults>
</compile_context>

<pallas_src>
import functools

import jax
import jax.numpy as jnp
from jax import lax
from jax.experimental import pallas as pl
from jax.experimental.pallas import tpu as pltpu
from jax.experimental.pallas import tpu_sc as plsc

NC = 2
NS = 16
NW = NC * NS
CH = 128
K = 2


JUNK = 128


def _sc_segment_sum(n_feat, edge_rows, zeros):
    N, D = n_feat.shape
    RW = edge_rows.shape[0] // NW
    assert edge_rows.shape[0] == NW * RW and RW % 2 == 0 and RW >= 4
    rpt = (N // NS) & ~7
    rlast = N - rpt * (NS - 1)
    assert rlast % 8 == 0 and rlast > 0

    mesh = plsc.VectorSubcoreMesh(
        core_axis_name="c", subcore_axis_name="s", num_cores=NC, num_subcores=NS)

    @functools.partial(
        pl.kernel,
        out_type=jax.ShapeDtypeStruct((NC, N, D), jnp.float32),
        mesh=mesh,
        scratch_types=[
            *[pltpu.VMEM((2, CH), jnp.int32) for _ in range(2)],
            *[pltpu.VMEM((CH, D), jnp.float32) for _ in range(K)],
            pltpu.VMEM_SHARED((N + JUNK, D), jnp.float32),
            pltpu.SemaphoreType.DMA,
            pltpu.SemaphoreType.DMA,
        ],
    )
    def seg_sum(nf_hbm, e_hbm, z_hbm, out_hbm, *rest):
        eidx = rest[0:2]
        rows = rest[2:2 + K]
        acc = rest[2 + K]
        gsem = rest[3 + K:5 + K]
        c = lax.axis_index("c")
        s = lax.axis_index("s")
        wid = s * NC + c
        r0 = pl.multiple_of(s * rpt, 8)

        @pl.when(s < NS - 1)
        def _():
            pltpu.sync_copy(z_hbm.at[pl.ds(0, rpt)], acc.at[pl.ds(r0, rpt)])

        @pl.when(s == NS - 1)
        def _():
            pltpu.sync_copy(z_hbm.at[pl.ds(0, rlast)], acc.at[pl.ds(r0, rlast)])

        wr = wid * RW

        def fire_gather(p):
            return pltpu.async_copy(
                nf_hbm.at[eidx[p].at[0]], rows[p], gsem[p])

        def wait_gather(p):
            pltpu.make_async_copy(nf_hbm.at[eidx[p].at[0]], rows[p],
                                  gsem[p]).wait()

        def step(j, p, prefetch):
            if prefetch:
                pltpu.sync_copy(e_hbm.at[j + 1], eidx[1 - p])
                fire_gather(1 - p)
            wait_gather(p)
            pltpu.sync_copy(rows[p], acc.at[eidx[p].at[1]], add=True)

        plsc.subcore_barrier()

        pltpu.sync_copy(e_hbm.at[wr], eidx[0])
        fire_gather(0)

        def two_steps(g, _):
            step(wr + 2 * g, 0, True)
            step(wr + 2 * g + 1, 1, True)
            return 0

        lax.fori_loop(0, (RW - 2) // 2, two_steps, 0)
        step(wr + RW - 2, 0, True)
        step(wr + RW - 1, 1, False)

        plsc.subcore_barrier()

        @pl.when(s < NS - 1)
        def _():
            pltpu.sync_copy(acc.at[pl.ds(r0, rpt)], out_hbm.at[c, pl.ds(r0, rpt)])

        @pl.when(s == NS - 1)
        def _():
            pltpu.sync_copy(acc.at[pl.ds(r0, rlast)],
                            out_hbm.at[c, pl.ds(r0, rlast)])

    return seg_sum(n_feat, edge_rows, zeros)


def _tc_mlp(partials, W1, b1, W2, b2, W3, b3, W4, b4):
    _, N, D = partials.shape
    H = W1.shape[1]
    NB = W2.shape[1]
    BN = 1000
    assert N % BN == 0
    grid = N // BN

    def body(p_ref, W1_ref, b1_ref, W2_ref, b2_ref, W3_ref, b3_ref,
             W4_ref, b4_ref, fps_ref, out_ref, acc_ref):
        i = pl.program_id(0)
        h = p_ref[0] + p_ref[1]
        r = jnp.maximum(
            jnp.dot(h, W1_ref[...], preferred_element_type=jnp.float32)
            + b1_ref[...], 0.0)
        lg = (jnp.dot(r, W2_ref[...], preferred_element_type=jnp.float32)
              + b2_ref[...])
        m = jnp.max(lg, axis=1, keepdims=True)
        e = jnp.exp(lg - m)
        p = e / jnp.sum(e, axis=1, keepdims=True)
        colsum = jnp.sum(p, axis=0, keepdims=True)

        @pl.when(i == 0)
        def _():
            acc_ref[...] = colsum

        @pl.when(i > 0)
        def _():
            acc_ref[...] += colsum

        @pl.when(i == pl.num_programs(0) - 1)
        def _():
            fps = acc_ref[...] * 2.0
            fps_ref[...] = fps
            o = jnp.maximum(
                jnp.dot(fps, W3_ref[...], preferred_element_type=jnp.float32)
                + b3_ref[...], 0.0)
            out_ref[...] = (
                jnp.dot(o, W4_ref[...], preferred_element_type=jnp.float32)
                + b4_ref[...])

    fixed = lambda *_: (0, 0)
    return pl.pallas_call(
        body,
        grid=(grid,),
        in_specs=[
            pl.BlockSpec((2, BN, D), lambda i: (0, i, 0)),
            pl.BlockSpec((D, H), fixed),
            pl.BlockSpec((1, H), fixed),
            pl.BlockSpec((H, NB), fixed),
            pl.BlockSpec((1, NB), fixed),
            pl.BlockSpec((NB, H), fixed),
            pl.BlockSpec((1, H), fixed),
            pl.BlockSpec((H, 1), fixed),
            pl.BlockSpec((1, 1), fixed),
        ],
        out_specs=[
            pl.BlockSpec((1, NB), fixed),
            pl.BlockSpec((1, 1), fixed),
        ],
        out_shape=[
            jax.ShapeDtypeStruct((1, NB), jnp.float32),
            jax.ShapeDtypeStruct((1, 1), jnp.float32),
        ],
        scratch_shapes=[pltpu.VMEM((1, NB), jnp.float32)],
    )(partials, W1, b1.reshape(1, H), W2, b2.reshape(1, NB),
      W3, b3.reshape(1, H), W4, b4.reshape(1, 1))


def kernel(n_feat, edge_index, W1, b1, W2, b2, W3, b3, W4, b4):
    N, D = n_feat.shape
    E = edge_index.shape[1]
    rw = -(-E // (NW * CH * 4)) * 4
    e_pad = NW * rw * CH
    pad = e_pad - E
    ar = jnp.arange(pad, dtype=jnp.int32)
    src = jnp.concatenate([edge_index[0], ar % N])
    dst = jnp.concatenate([edge_index[1], N + (ar % JUNK)])
    edge_rows = jnp.stack(
        [src.reshape(-1, CH), dst.reshape(-1, CH)], axis=1)
    rlast = N - ((N // NS) & ~7) * (NS - 1)
    zeros = jnp.zeros((rlast, D), dtype=jnp.float32)
    partials = _sc_segment_sum(n_feat, edge_rows, zeros)
    fps, out = _tc_mlp(partials, W1, b1, W2, b2, W3, b3, W4, b4)
    return (fps, out.squeeze(0))

# --- scband reference (transcript-rebuilt; emitter-appended) ---
"""Pipeline reference for scband-nfp-33406255628786 (READ-ONLY COPY).

The authoritative reference and input builder live on the scoring server;
editing this copy changes nothing except your own understanding.
"""

import jax, jax.numpy as jnp
import numpy as np


def setup_inputs(seed: int = 0) -> dict:
    key = jax.random.key(seed)
    ks = jax.random.split(key, 12)
    N, E, D, H, NB = 10000, 320000, 128, 64, 16
    n_feat = jax.random.normal(ks[0], (N, D), dtype=jnp.float32)
    edge_index = jax.random.randint(ks[1], (2, E), 0, N, dtype=jnp.int32)
    W1 = jax.random.normal(ks[2], (D, H), dtype=jnp.float32) * (1.0 / np.sqrt(D))
    b1 = jnp.zeros((H,), dtype=jnp.float32)
    W2 = jax.random.normal(ks[3], (H, NB), dtype=jnp.float32) * (1.0 / np.sqrt(H))
    b2 = jnp.zeros((NB,), dtype=jnp.float32)
    W3 = jax.random.normal(ks[4], (NB, H), dtype=jnp.float32) * (1.0 / np.sqrt(NB))
    b3 = jnp.zeros((H,), dtype=jnp.float32)
    W4 = jax.random.normal(ks[5], (H, 1), dtype=jnp.float32) * (1.0 / np.sqrt(H))
    b4 = jnp.zeros((1,), dtype=jnp.float32)
    return {"n_feat": n_feat, "edge_index": edge_index,
            "W1": W1, "b1": b1, "W2": W2, "b2": b2,
            "W3": W3, "b3": b3, "W4": W4, "b4": b4}


def reference(n_feat, edge_index, W1, b1, W2, b2, W3, b3, W4, b4):
    N = n_feat.shape[0]
    depth = 2
    nbits = W2.shape[1]
    src = edge_index[0]
    dst = edge_index[1]
    fps = jnp.zeros((1, nbits), dtype=jnp.float32)
    for _ in range(depth):
        # gcn_msg = copy_src('h') ; gcn_reduce = sum -> scatter-add of src feats to dst
        msgs = jnp.take(n_feat, src, axis=0)
        h = jax.ops.segment_sum(msgs, dst, num_segments=N)
        r = jax.nn.relu(h @ W1 + b1)
        i = jax.nn.softmax(r @ W2 + b2, axis=1)
        fps = fps + jnp.sum(i, axis=0)
    out = jax.nn.relu(fps @ W3 + b3)
    out = (out @ W4 + b4).squeeze(0)
    return (fps, out)

if __name__ == "__main__":
    import jax
    _d = setup_inputs()
    print(jax.jit(kernel)(*tuple(_d.values())))

</pallas_src>

<mosaic_0001>
#map = affine_map<(d0, d1) -> (0, 0)>
#map1 = affine_map<(d0, d1) -> (0, 0, 0)>
module attributes {stable_mosaic.version = 14 : i64} {
  func.func @seg_sum(%arg0: i32, %arg1: i32, %arg2: memref<10000x128xf32, #tpu.memory_space<hbm>>, %arg3: memref<2560x2x128xi32, #tpu.memory_space<hbm>>, %arg4: memref<640x128xf32, #tpu.memory_space<hbm>>, %arg5: memref<2x10000x128xf32, #tpu.memory_space<hbm>>, %arg6: memref<2x128xi32, #tpu.memory_space<vmem>>, %arg7: memref<2x128xi32, #tpu.memory_space<vmem>>, %arg8: memref<128x128xf32, #tpu.memory_space<vmem>>, %arg9: memref<128x128xf32, #tpu.memory_space<vmem>>, %arg10: memref<10128x128xf32, #tpu.memory_space<vmem_shared>>, %arg11: memref<!tpu.dma_semaphore, #tpu.memory_space<semaphore_mem>>, %arg12: memref<!tpu.dma_semaphore, #tpu.memory_space<semaphore_mem>>) attributes {dimension_semantics = [#tpu.dimension_semantics<core_parallel>, #tpu.dimension_semantics<subcore_parallel>], iteration_bounds = array<i64: 2, 16>, scalar_prefetch = 0 : i64, scratch_operands = 7 : i64, tpu.core_type = #tpu.core_type<sc_vector_subcore>, window_params = [{transform_indices = #map}, {transform_indices = #map1}, {transform_indices = #map}, {transform_indices = #map1}]} {
    %mul3A = arith.constant 2 : i32
    %mul3A_0 = arith.muli %arg1, %mul3A : i32
    %add3A = arith.addi %mul3A_0, %arg0 : i32
    %mul3A_1 = arith.constant 624 : i32
    %mul3A_2 = arith.muli %arg1, %mul3A_1 : i32
    %multiple_of3A = tpu.assume_multiple %mul3A_2, 8 : i32
    %lt3A = arith.constant 15 : i32
    %lt3A_3 = arith.cmpi slt, %arg1, %lt3A : i32
    %convert_element_type3A = arith.extui %lt3A_3 : i1 to i32
    %cond3A = arith.constant 0 : i32
    %cond3A_4 = arith.cmpi ne, %convert_element_type3A, %cond3A : i32
    scf.if %cond3A_4 {
      "tpu.region"() ({
        %run_scoped3A_64 = tpu.sem_alloc : memref<!tpu.dma_semaphore, #tpu.memory_space<semaphore_mem>>
        %dma_start3A_65 = arith.constant 0 : i32
        %dma_start3A_66 = tpu.memref_slice %arg10[%multiple_of3A, %dma_start3A_65] : memref<10128x128xf32, #tpu.memory_space<vmem_shared>> -> memref<624x128xf32, #tpu.memory_space<vmem_shared>>
        %dma_start3A_67 = arith.constant 0 : i32
        %dma_start3A_68 = arith.constant 0 : i32
        %dma_start3A_69 = tpu.memref_slice %arg4[%dma_start3A_67, %dma_start3A_68] : memref<640x128xf32, #tpu.memory_space<hbm>> -> memref<624x128xf32, #tpu.memory_space<hbm>>
        tpu.enqueue_dma source(%dma_start3A_69 : memref<624x128xf32, #tpu.memory_space<hbm>>) target(%dma_start3A_66 : memref<624x128xf32, #tpu.memory_space<vmem_shared>>) target_semaphore(%run_scoped3A_64 : memref<!tpu.dma_semaphore, #tpu.memory_space<semaphore_mem>>)
        %dma_wait3A_70 = arith.constant 0 : i32
        %dma_wait3A_71 = tpu.memref_slice %arg10[%multiple_of3A, %dma_wait3A_70] : memref<10128x128xf32, #tpu.memory_space<vmem_shared>> -> memref<624x128xf32, #tpu.memory_space<vmem_shared>>
        %dma_wait3A_72 = arith.constant 0 : i32
        %dma_wait3A_73 = arith.constant 0 : i32
        %dma_wait3A_74 = tpu.memref_slice %arg4[%dma_wait3A_72, %dma_wait3A_73] : memref<640x128xf32, #tpu.memory_space<hbm>> -> memref<624x128xf32, #tpu.memory_space<hbm>>
        tpu.wait_dma2 semaphore(%run_scoped3A_64 : memref<!tpu.dma_semaphore, #tpu.memory_space<semaphore_mem>>) src(%dma_wait3A_74 : memref<624x128xf32, #tpu.memory_space<hbm>>) dst(%dma_wait3A_71 : memref<624x128xf32, #tpu.memory_space<vmem_shared>>)
        tpu.yield
      }) : () -> ()
    } else {
    }
    %eq3A = arith.constant 15 : i32
    %eq3A_5 = arith.cmpi eq, %arg1, %eq3A : i32
    %convert_element_type3A_6 = arith.extui %eq3A_5 : i1 to i32
    %cond3A_7 = arith.constant 0 : i32
    %cond3A_8 = arith.cmpi ne, %convert_element_type3A_6, %cond3A_7 : i32
    scf.if %cond3A_8 {
      "tpu.region"() ({
        %run_scoped3A_64 = tpu.sem_alloc : memref<!tpu.dma_semaphore, #tpu.memory_space<semaphore_mem>>
        %dma_start3A_65 = arith.constant 0 : i32
        %dma_start3A_66 = tpu.memref_slice %arg10[%multiple_of3A, %dma_start3A_65] : memref<10128x128xf32, #tpu.memory_space<vmem_shared>> -> memref<640x128xf32, #tpu.memory_space<vmem_shared>>
        %dma_start3A_67 = arith.constant 0 : i32
        %dma_start3A_68 = arith.constant 0 : i32
        %dma_start3A_69 = tpu.memref_slice %arg4[%dma_start3A_67, %dma_start3A_68] : memref<640x128xf32, #tpu.memory_space<hbm>> -> memref<640x128xf32, #tpu.memory_space<hbm>>
        tpu.enqueue_dma source(%dma_start3A_69 : memref<640x128xf32, #tpu.memory_space<hbm>>) target(%dma_start3A_66 : memref<640x128xf32, #tpu.memory_space<vmem_shared>>) target_semaphore(%run_scoped3A_64 : memref<!tpu.dma_semaphore, #tpu.memory_space<semaphore_mem>>)
        %dma_wait3A_70 = arith.constant 0 : i32
        %dma_wait3A_71 = tpu.memref_slice %arg10[%multiple_of3A, %dma_wait3A_70] : memref<10128x128xf32, #tpu.memory_space<vmem_shared>> -> memref<640x128xf32, #tpu.memory_space<vmem_shared>>
        %dma_wait3A_72 = arith.constant 0 : i32
        %dma_wait3A_73 = arith.constant 0 : i32
        %dma_wait3A_74 = tpu.memref_slice %arg4[%dma_wait3A_72, %dma_wait3A_73] : memref<640x128xf32, #tpu.memory_space<hbm>> -> memref<640x128xf32, #tpu.memory_space<hbm>>
        tpu.wait_dma2 semaphore(%run_scoped3A_64 : memref<!tpu.dma_semaphore, #tpu.memory_space<semaphore_mem>>) src(%dma_wait3A_74 : memref<640x128xf32, #tpu.memory_space<hbm>>) dst(%dma_wait3A_71 : memref<640x128xf32, #tpu.memory_space<vmem_shared>>)
        tpu.yield
      }) : () -> ()
    } else {
    }
    %mul3A_9 = arith.constant 80 : i32
    %mul3A_10 = arith.muli %add3A, %mul3A_9 : i32
    %barrier3A = arith.constant 0 : index
    tpu.barrier barrier_id(%barrier3A)
    "tpu.region"() ({
      %run_scoped3A_64 = tpu.sem_alloc : memref<!tpu.dma_semaphore, #tpu.memory_space<semaphore_mem>>
      %dma_start3A_65 = arith.constant 0 : i32
      %dma_start3A_66 = arith.constant 0 : i32
      %dma_start3A_67 = tpu.memref_slice %arg3[%mul3A_10, %dma_start3A_65, %dma_start3A_66] : memref<2560x2x128xi32, #tpu.memory_space<hbm>> -> memref<1x2x128xi32, #tpu.memory_space<hbm>>
      %dma_start3A_68 = tpu.memref_squeeze %dma_start3A_67 : memref<1x2x128xi32, #tpu.memory_space<hbm>> -> memref<2x128xi32, #tpu.memory_space<hbm>>
      %dma_start3A_69 = arith.constant 0 : i32
      %dma_start3A_70 = arith.constant 0 : i32
      %dma_start3A_71 = tpu.memref_slice %arg3[%mul3A_10, %dma_start3A_69, %dma_start3A_70] : memref<2560x2x128xi32, #tpu.memory_space<hbm>> -> memref<1x2x128xi32, #tpu.memory_space<hbm>>
      %dma_start3A_72 = tpu.memref_squeeze %dma_start3A_71 : memref<1x2x128xi32, #tpu.memory_space<hbm>> -> memref<2x128xi32, #tpu.memory_space<hbm>>
      tpu.enqueue_dma source(%dma_start3A_72 : memref<2x128xi32, #tpu.memory_space<hbm>>) target(%arg6 : memref<2x128xi32, #tpu.memory_space<vmem>>) target_semaphore(%run_scoped3A_64 : memref<!tpu.dma_semaphore, #tpu.memory_space<semaphore_mem>>)
      %dma_wait3A_73 = arith.constant 0 : i32
      %dma_wait3A_74 = arith.constant 0 : i32
      %dma_wait3A_75 = tpu.memref_slice %arg3[%mul3A_10, %dma_wait3A_73, %dma_wait3A_74] : memref<2560x2x128xi32, #tpu.memory_space<hbm>> -> memref<1x2x128xi32, #tpu.memory_space<hbm>>
      %dma_wait3A_76 = tpu.memref_squeeze %dma_wait3A_75 : memref<1x2x128xi32, #tpu.memory_space<hbm>> -> memref<2x128xi32, #tpu.memory_space<hbm>>
      %dma_wait3A_77 = arith.constant 0 : i32
      %dma_wait3A_78 = arith.constant 0 : i32
      %dma_wait3A_79 = tpu.memref_slice %arg3[%mul3A_10, %dma_wait3A_77, %dma_wait3A_78] : memref<2560x2x128xi32, #tpu.memory_space<hbm>> -> memref<1x2x128xi32, #tpu.memory_space<hbm>>
      %dma_wait3A_80 = tpu.memref_squeeze %dma_wait3A_79 : memref<1x2x128xi32, #tpu.memory_space<hbm>> -> memref<2x128xi32, #tpu.memory_space<hbm>>
      tpu.wait_dma2 semaphore(%run_scoped3A_64 : memref<!tpu.dma_semaphore, #tpu.memory_space<semaphore_mem>>) src(%dma_wait3A_80 : memref<2x128xi32, #tpu.memory_space<hbm>>) dst(%arg6 : memref<2x128xi32, #tpu.memory_space<vmem>>)
      tpu.yield
    }) : () -> ()
    %dma_start3A = arith.constant 0 : i32
    %dma_start3A_11 = arith.constant 0 : i32
    %dma_start3A_12 = tpu.memref_slice %arg6[%dma_start3A, %dma_start3A_11] : memref<2x128xi32, #tpu.memory_space<vmem>> -> memref<1x128xi32, #tpu.memory_space<vmem>>
    %dma_start3A_13 = tpu.memref_squeeze %dma_start3A_12 : memref<1x128xi32, #tpu.memory_space<vmem>> -> memref<128xi32, #tpu.memory_space<vmem>>
    %dma_start3A_14 = arith.constant 0 : i32
    %dma_start3A_15 = arith.constant 0 : i32
    %dma_start3A_16 = tpu.memref_slice %arg2[%dma_start3A_14, %dma_start3A_15] : memref<10000x128xf32, #tpu.memory_space<hbm>> -> memref<10000x128xf32, #tpu.memory_space<hbm>>
    tpu.enqueue_indirect_dma source(%dma_start3A_16 : memref<10000x128xf32, #tpu.memory_space<hbm>>) target(%arg8 : memref<128x128xf32, #tpu.memory_space<vmem>>) offsets(%dma_start3A_13 : memref<128xi32, #tpu.memory_space<vmem>>) semaphore(%arg11 : memref<!tpu.dma_semaphore, #tpu.memory_space<semaphore_mem>>)
    %scan3A = arith.constant 0 : i32
    %scan3A_17 = arith.constant 0 : i32
    %scan3A_18 = arith.constant 39 : i32
    %scan3A_19 = arith.addi %scan3A_17, %scan3A_18 : i32
    %scan3A_20 = arith.constant 1 : i32
    %scan3A_21 = scf.for %scan3A_64 = %scan3A_17 to %scan3A_19 step %scan3A_20 iter_args(%scan3A_65 = %scan3A) -> (i32)  : i32 {
      %mul3A_66 = arith.constant 2 : i32
      %mul3A_67 = arith.muli %mul3A_66, %scan3A_64 : i32
      %add3A_68 = arith.addi %mul3A_10, %mul3A_67 : i32
      %add3A_69 = arith.constant 1 : i32
      %add3A_70 = arith.addi %add3A_68, %add3A_69 : i32
      "tpu.region"() ({
        %run_scoped3A_109 = tpu.sem_alloc : memref<!tpu.dma_semaphore, #tpu.memory_space<semaphore_mem>>
        %dma_start3A_110 = arith.constant 0 : i32
        %dma_start3A_111 = arith.constant 0 : i32
        %dma_start3A_112 = tpu.memref_slice %arg3[%add3A_70, %dma_start3A_110, %dma_start3A_111] : memref<2560x2x128xi32, #tpu.memory_space<hbm>> -> memref<1x2x128xi32, #tpu.memory_space<hbm>>
        %dma_start3A_113 = tpu.memref_squeeze %dma_start3A_112 : memref<1x2x128xi32, #tpu.memory_space<hbm>> -> memref<2x128xi32, #tpu.memory_space<hbm>>
        %dma_start3A_114 = arith.constant 0 : i32
        %dma_start3A_115 = arith.constant 0 : i32
        %dma_start3A_116 = tpu.memref_slice %arg3[%add3A_70, %dma_start3A_114, %dma_start3A_115] : memref<2560x2x128xi32, #tpu.memory_space<hbm>> -> memref<1x2x128xi32, #tpu.memory_space<hbm>>
        %dma_start3A_117 = tpu.memref_squeeze %dma_start3A_116 : memref<1x2x128xi32, #tpu.memory_space<hbm>> -> memref<2x128xi32, #tpu.memory_space<hbm>>
        tpu.enqueue_dma source(%dma_start3A_117 : memref<2x128xi32, #tpu.memory_space<hbm>>) target(%arg7 : memref<2x128xi32, #tpu.memory_space<vmem>>) target_semaphore(%run_scoped3A_109 : memref<!tpu.dma_semaphore, #tpu.memory_space<semaphore_mem>>)
        %dma_wait3A_118 = arith.constant 0 : i32
        %dma_wait3A_119 = arith.constant 0 : i32
        %dma_wait3A_120 = tpu.memref_slice %arg3[%add3A_70, %dma_wait3A_118, %dma_wait3A_119] : memref<2560x2x128xi32, #tpu.memory_space<hbm>> -> memref<1x2x128xi32, #tpu.memory_space<hbm>>
        %dma_wait3A_121 = tpu.memref_squeeze %dma_wait3A_120 : memref<1x2x128xi32, #tpu.memory_space<hbm>> -> memref<2x128xi32, #tpu.memory_space<hbm>>
        %dma_wait3A_122 = arith.constant 0 : i32
        %dma_wait3A_123 = arith.constant 0 : i32
        %dma_wait3A_124 = tpu.memref_slice %arg3[%add3A_70, %dma_wait3A_122, %dma_wait3A_123] : memref<2560x2x128xi32, #tpu.memory_space<hbm>> -> memref<1x2x128xi32, #tpu.memory_space<hbm>>
        %dma_wait3A_125 = tpu.memref_squeeze %dma_wait3A_124 : memref<1x2x128xi32, #tpu.memory_space<hbm>> -> memref<2x128xi32, #tpu.memory_space<hbm>>
        tpu.wait_dma2 semaphore(%run_scoped3A_109 : memref<!tpu.dma_semaphore, #tpu.memory_space<semaphore_mem>>) src(%dma_wait3A_125 : memref<2x128xi32, #tpu.memory_space<hbm>>) dst(%arg7 : memref<2x128xi32, #tpu.memory_space<vmem>>)
        tpu.yield
      }) : () -> ()
      %dma_start3A_71 = arith.constant 0 : i32
      %dma_start3A_72 = arith.constant 0 : i32
      %dma_start3A_73 = tpu.memref_slice %arg7[%dma_start3A_71, %dma_start3A_72] : memref<2x128xi32, #tpu.memory_space<vmem>> -> memref<1x128xi32, #tpu.memory_space<vmem>>
      %dma_start3A_74 = tpu.memref_squeeze %dma_start3A_73 : memref<1x128xi32, #tpu.memory_space<vmem>> -> memref<128xi32, #tpu.memory_space<vmem>>
      %dma_start3A_75 = arith.constant 0 : i32
      %dma_start3A_76 = arith.constant 0 : i32
      %dma_start3A_77 = tpu.memref_slice %arg2[%dma_start3A_75, %dma_start3A_76] : memref<10000x128xf32, #tpu.memory_space<hbm>> -> memref<10000x128xf32, #tpu.memory_space<hbm>>
      tpu.enqueue_indirect_dma source(%dma_start3A_77 : memref<10000x128xf32, #tpu.memory_space<hbm>>) target(%arg9 : memref<128x128xf32, #tpu.memory_space<vmem>>) offsets(%dma_start3A_74 : memref<128xi32, #tpu.memory_space<vmem>>) semaphore(%arg12 : memref<!tpu.dma_semaphore, #tpu.memory_space<semaphore_mem>>)
      %dma_wait3A_78 = arith.constant 0 : i32
      %dma_wait3A_79 = arith.constant 0 : i32
      %dma_wait3A_80 = tpu.memref_slice %arg6[%dma_wait3A_78, %dma_wait3A_79] : memref<2x128xi32, #tpu.memory_space<vmem>> -> memref<1x128xi32, #tpu.memory_space<vmem>>
      %dma_wait3A_81 = tpu.memref_squeeze %dma_wait3A_80 : memref<1x128xi32, #tpu.memory_space<vmem>> -> memref<128xi32, #tpu.memory_space<vmem>>
      %dma_wait3A_82 = arith.constant 0 : i32
      %dma_wait3A_83 = arith.constant 0 : i32
      %dma_wait3A_84 = tpu.memref_slice %arg2[%dma_wait3A_82, %dma_wait3A_83] : memref<10000x128xf32, #tpu.memory_space<hbm>> -> memref<10000x128xf32, #tpu.memory_space<hbm>>
      tpu.wait_indirect_dma semaphore(%arg11 : memref<!tpu.dma_semaphore, #tpu.memory_space<semaphore_mem>>) src(%dma_wait3A_84 : memref<10000x128xf32, #tpu.memory_space<hbm>>) dst(%arg8 : memref<128x128xf32, #tpu.memory_space<vmem>>)
      %run_scoped3A_85 = arith.constant 1 : i32
      "tpu.region"() ({
        %run_scoped3A_109 = tpu.sem_alloc : memref<!tpu.dma_semaphore, #tpu.memory_space<semaphore_mem>>
        %dma_start3A_110 = arith.constant 0 : i32
        %dma_start3A_111 = tpu.memref_slice %arg6[%run_scoped3A_85, %dma_start3A_110] : memref<2x128xi32, #tpu.memory_space<vmem>> -> memref<1x128xi32, #tpu.memory_space<vmem>>
        %dma_start3A_112 = tpu.memref_squeeze %dma_start3A_111 : memref<1x128xi32, #tpu.memory_space<vmem>> -> memref<128xi32, #tpu.memory_space<vmem>>
        %dma_start3A_113 = arith.constant 0 : i32
        %dma_start3A_114 = arith.constant 0 : i32
        %dma_start3A_115 = tpu.memref_slice %arg10[%dma_start3A_113, %dma_start3A_114] : memref<10128x128xf32, #tpu.memory_space<vmem_shared>> -> memref<10128x128xf32, #tpu.memory_space<vmem_shared>>
        tpu.enqueue_indirect_dma source(%arg8 : memref<128x128xf32, #tpu.memory_space<vmem>>) target(%dma_start3A_115 : memref<10128x128xf32, #tpu.memory_space<vmem_shared>>) offsets(%dma_start3A_112 : memref<128xi32, #tpu.memory_space<vmem>>) semaphore(%run_scoped3A_109 : memref<!tpu.dma_semaphore, #tpu.memory_space<semaphore_mem>>) {add = true}
        %dma_wait3A_116 = arith.constant 0 : i32
        %dma_wait3A_117 = tpu.memref_slice %arg6[%run_scoped3A_85, %dma_wait3A_116] : memref<2x128xi32, #tpu.memory_space<vmem>> -> memref<1x128xi32, #tpu.memory_space<vmem>>
        %dma_wait3A_118 = tpu.memref_squeeze %dma_wait3A_117 : memref<1x128xi32, #tpu.memory_space<vmem>> -> memref<128xi32, #tpu.memory_space<vmem>>
        %dma_wait3A_119 = arith.constant 0 : i32
        %dma_wait3A_120 = arith.constant 0 : i32
        %dma_wait3A_121 = tpu.memref_slice %arg10[%dma_wait3A_119, %dma_wait3A_120] : memref<10128x128xf32, #tpu.memory_space<vmem_shared>> -> memref<10128x128xf32, #tpu.memory_space<vmem_shared>>
        tpu.wait_indirect_dma semaphore(%run_scoped3A_109 : memref<!tpu.dma_semaphore, #tpu.memory_space<semaphore_mem>>) src(%arg8 : memref<128x128xf32, #tpu.memory_space<vmem>>) dst(%dma_wait3A_121 : memref<10128x128xf32, #tpu.memory_space<vmem_shared>>)
        tpu.yield
      }) : () -> ()
      %mul3A_86 = arith.constant 2 : i32
      %mul3A_87 = arith.muli %mul3A_86, %scan3A_64 : i32
      %add3A_88 = arith.addi %mul3A_10, %mul3A_87 : i32
      %add3A_89 = arith.constant 1 : i32
      %add3A_90 = arith.addi %add3A_88, %add3A_89 : i32
      %add3A_91 = arith.constant 1 : i32
      %add3A_92 = arith.addi %add3A_90, %add3A_91 : i32
      "tpu.region"() ({
        %run_scoped3A_109 = tpu.sem_alloc : memref<!tpu.dma_semaphore, #tpu.memory_space<semaphore_mem>>
        %dma_start3A_110 = arith.constant 0 : i32
        %dma_start3A_111 = arith.constant 0 : i32
        %dma_start3A_112 = tpu.memref_slice %arg3[%add3A_92, %dma_start3A_110, %dma_start3A_111] : memref<2560x2x128xi32, #tpu.memory_space<hbm>> -> memref<1x2x128xi32, #tpu.memory_space<hbm>>
        %dma_start3A_113 = tpu.memref_squeeze %dma_start3A_112 : memref<1x2x128xi32, #tpu.memory_space<hbm>> -> memref<2x128xi32, #tpu.memory_space<hbm>>
        %dma_start3A_114 = arith.constant 0 : i32
        %dma_start3A_115 = arith.constant 0 : i32
        %dma_start3A_116 = tpu.memref_slice %arg3[%add3A_92, %dma_start3A_114, %dma_start3A_115] : memref<2560x2x128xi32, #tpu.memory_space<hbm>> -> memref<1x2x128xi32, #tpu.memory_space<hbm>>
        %dma_start3A_117 = tpu.memref_squeeze %dma_start3A_116 : memref<1x2x128xi32, #tpu.memory_space<hbm>> -> memref<2x128xi32, #tpu.memory_space<hbm>>
        tpu.enqueue_dma source(%dma_start3A_117 : memref<2x128xi32, #tpu.memory_space<hbm>>) target(%arg6 : memref<2x128xi32, #tpu.memory_space<vmem>>) target_semaphore(%run_scoped3A_109 : memref<!tpu.dma_semaphore, #tpu.memory_space<semaphore_mem>>)
        %dma_wait3A_118 = arith.constant 0 : i32
        %dma_wait3A_119 = arith.constant 0 : i32
        %dma_wait3A_120 = tpu.memref_slice %arg3[%add3A_92, %dma_wait3A_118, %dma_wait3A_119] : memref<2560x2x128xi32, #tpu.memory_space<hbm>> -> memref<1x2x128xi32, #tpu.memory_space<hbm>>
        %dma_wait3A_121 = tpu.memref_squeeze %dma_wait3A_120 : memref<1x2x128xi32, #tpu.memory_space<hbm>> -> memref<2x128xi32, #tpu.memory_space<hbm>>
        %dma_wait3A_122 = arith.constant 0 : i32
        %dma_wait3A_123 = arith.constant 0 : i32
        %dma_wait3A_124 = tpu.memref_slice %arg3[%add3A_92, %dma_wait3A_122, %dma_wait3A_123] : memref<2560x2x128xi32, #tpu.memory_space<hbm>> -> memref<1x2x128xi32, #tpu.memory_space<hbm>>
        %dma_wait3A_125 = tpu.memref_squeeze %dma_wait3A_124 : memref<1x2x128xi32, #tpu.memory_space<hbm>> -> memref<2x128xi32, #tpu.memory_space<hbm>>
        tpu.wait_dma2 semaphore(%run_scoped3A_109 : memref<!tpu.dma_semaphore, #tpu.memory_space<semaphore_mem>>) src(%dma_wait3A_125 : memref<2x128xi32, #tpu.memory_space<hbm>>) dst(%arg6 : memref<2x128xi32, #tpu.memory_space<vmem>>)
        tpu.yield
      }) : () -> ()
      %dma_start3A_93 = arith.constant 0 : i32
      %dma_start3A_94 = arith.constant 0 : i32
      %dma_start3A_95 = tpu.memref_slice %arg6[%dma_start3A_93, %dma_start3A_94] : memref<2x128xi32, #tpu.memory_space<vmem>> -> memref<1x128xi32, #tpu.memory_space<vmem>>
      %dma_start3A_96 = tpu.memref_squeeze %dma_start3A_95 : memref<1x128xi32, #tpu.memory_space<vmem>> -> memref<128xi32, #tpu.memory_space<vmem>>
      %dma_start3A_97 = arith.constant 0 : i32
      %dma_start3A_98 = arith.constant 0 : i32
      %dma_start3A_99 = tpu.memref_slice %arg2[%dma_start3A_97, %dma_start3A_98] : memref<10000x128xf32, #tpu.memory_space<hbm>> -> memref<10000x128xf32, #tpu.memory_space<hbm>>
      tpu.enqueue_indirect_dma source(%dma_start3A_99 : memref<10000x128xf32, #tpu.memory_space<hbm>>) target(%arg8 : memref<128x128xf32, #tpu.memory_space<vmem>>) offsets(%dma_start3A_96 : memref<128xi32, #tpu.memory_space<vmem>>) semaphore(%arg11 : memref<!tpu.dma_semaphore, #tpu.memory_space<semaphore_mem>>)
      %dma_wait3A_100 = arith.constant 0 : i32
      %dma_wait3A_101 = arith.constant 0 : i32
      %dma_wait3A_102 = tpu.memref_slice %arg7[%dma_wait3A_100, %dma_wait3A_101] : memref<2x128xi32, #tpu.memory_space<vmem>> -> memref<1x128xi32, #tpu.memory_space<vmem>>
      %dma_wait3A_103 = tpu.memref_squeeze %dma_wait3A_102 : memref<1x128xi32, #tpu.memory_space<vmem>> -> memref<128xi32, #tpu.memory_space<vmem>>
      %dma_wait3A_104 = arith.constant 0 : i32
      %dma_wait3A_105 = arith.constant 0 : i32
      %dma_wait3A_106 = tpu.memref_slice %arg2[%dma_wait3A_104, %dma_wait3A_105] : memref<10000x128xf32, #tpu.memory_space<hbm>> -> memref<10000x128xf32, #tpu.memory_space<hbm>>
      tpu.wait_indirect_dma semaphore(%arg12 : memref<!tpu.dma_semaphore, #tpu.memory_space<semaphore_mem>>) src(%dma_wait3A_106 : memref<10000x128xf32, #tpu.memory_space<hbm>>) dst(%arg9 : memref<128x128xf32, #tpu.memory_space<vmem>>)
      %run_scoped3A_107 = arith.constant 1 : i32
      "tpu.region"() ({
        %run_scoped3A_109 = tpu.sem_alloc : memref<!tpu.dma_semaphore, #tpu.memory_space<semaphore_mem>>
        %dma_start3A_110 = arith.constant 0 : i32
        %dma_start3A_111 = tpu.memref_slice %arg7[%run_scoped3A_107, %dma_start3A_110] : memref<2x128xi32, #tpu.memory_space<vmem>> -> memref<1x128xi32, #tpu.memory_space<vmem>>
        %dma_start3A_112 = tpu.memref_squeeze %dma_start3A_111 : memref<1x128xi32, #tpu.memory_space<vmem>> -> memref<128xi32, #tpu.memory_space<vmem>>
        %dma_start3A_113 = arith.constant 0 : i32
        %dma_start3A_114 = arith.constant 0 : i32
        %dma_start3A_115 = tpu.memref_slice %arg10[%dma_start3A_113, %dma_start3A_114] : memref<10128x128xf32, #tpu.memory_space<vmem_shared>> -> memref<10128x128xf32, #tpu.memory_space<vmem_shared>>
        tpu.enqueue_indirect_dma source(%arg9 : memref<128x128xf32, #tpu.memory_space<vmem>>) target(%dma_start3A_115 : memref<10128x128xf32, #tpu.memory_space<vmem_shared>>) offsets(%dma_start3A_112 : memref<128xi32, #tpu.memory_space<vmem>>) semaphore(%run_scoped3A_109 : memref<!tpu.dma_semaphore, #tpu.memory_space<semaphore_mem>>) {add = true}
        %dma_wait3A_116 = arith.constant 0 : i32
        %dma_wait3A_117 = tpu.memref_slice %arg7[%run_scoped3A_107, %dma_wait3A_116] : memref<2x128xi32, #tpu.memory_space<vmem>> -> memref<1x128xi32, #tpu.memory_space<vmem>>
        %dma_wait3A_118 = tpu.memref_squeeze %dma_wait3A_117 : memref<1x128xi32, #tpu.memory_space<vmem>> -> memref<128xi32, #tpu.memory_space<vmem>>
        %dma_wait3A_119 = arith.constant 0 : i32
        %dma_wait3A_120 = arith.constant 0 : i32
        %dma_wait3A_121 = tpu.memref_slice %arg10[%dma_wait3A_119, %dma_wait3A_120] : memref<10128x128xf32, #tpu.memory_space<vmem_shared>> -> memref<10128x128xf32, #tpu.memory_space<vmem_shared>>
        tpu.wait_indirect_dma semaphore(%run_scoped3A_109 : memref<!tpu.dma_semaphore, #tpu.memory_space<semaphore_mem>>) src(%arg9 : memref<128x128xf32, #tpu.memory_space<vmem>>) dst(%dma_wait3A_121 : memref<10128x128xf32, #tpu.memory_space<vmem_shared>>)
        tpu.yield
      }) : () -> ()
      %scan3A_108 = arith.constant 0 : i32
      scf.yield %scan3A_108 : i32
    }
    %scan3A_22 = arith.constant 39 : i32
    %add3A_23 = arith.constant 80 : i32
    %add3A_24 = arith.addi %mul3A_10, %add3A_23 : i32
    %sub3A = arith.constant 2 : i32
    %sub3A_25 = arith.subi %add3A_24, %sub3A : i32
    %add3A_26 = arith.constant 1 : i32
    %add3A_27 = arith.addi %sub3A_25, %add3A_26 : i32
    "tpu.region"() ({
      %run_scoped3A_64 = tpu.sem_alloc : memref<!tpu.dma_semaphore, #tpu.memory_space<semaphore_mem>>
      %dma_start3A_65 = arith.constant 0 : i32
      %dma_start3A_66 = arith.constant 0 : i32
      %dma_start3A_67 = tpu.memref_slice %arg3[%add3A_27, %dma_start3A_65, %dma_start3A_66] : memref<2560x2x128xi32, #tpu.memory_space<hbm>> -> memref<1x2x128xi32, #tpu.memory_space<hbm>>
      %dma_start3A_68 = tpu.memref_squeeze %dma_start3A_67 : memref<1x2x128xi32, #tpu.memory_space<hbm>> -> memref<2x128xi32, #tpu.memory_space<hbm>>
      %dma_start3A_69 = arith.constant 0 : i32
      %dma_start3A_70 = arith.constant 0 : i32
      %dma_start3A_71 = tpu.memref_slice %arg3[%add3A_27, %dma_start3A_69, %dma_start3A_70] : memref<2560x2x128xi32, #tpu.memory_space<hbm>> -> memref<1x2x128xi32, #tpu.memory_space<hbm>>
      %dma_start3A_72 = tpu.memref_squeeze %dma_start3A_71 : memref<1x2x128xi32, #tpu.memory_space<hbm>> -> memref<2x128xi32, #tpu.memory_space<hbm>>
      tpu.enqueue_dma source(%dma_start3A_72 : memref<2x128xi32, #tpu.memory_space<hbm>>) target(%arg7 : memref<2x128xi32, #tpu.memory_space<vmem>>) target_semaphore(%run_scoped3A_64 : memref<!tpu.dma_semaphore, #tpu.memory_space<semaphore_mem>>)
      %dma_wait3A_73 = arith.constant 0 : i32
      %dma_wait3A_74 = arith.constant 0 : i32
      %dma_wait3A_75 = tpu.memref_slice %arg3[%add3A_27, %dma_wait3A_73, %dma_wait3A_74] : memref<2560x2x128xi32, #tpu.memory_space<hbm>> -> memref<1x2x128xi32, #tpu.memory_space<hbm>>
      %dma_wait3A_76 = tpu.memref_squeeze %dma_wait3A_75 : memref<1x2x128xi32, #tpu.memory_space<hbm>> -> memref<2x128xi32, #tpu.memory_space<hbm>>
      %dma_wait3A_77 = arith.constant 0 : i32
      %dma_wait3A_78 = arith.constant 0 : i32
      %dma_wait3A_79 = tpu.memref_slice %arg3[%add3A_27, %dma_wait3A_77, %dma_wait3A_78] : memref<2560x2x128xi32, #tpu.memory_space<hbm>> -> memref<1x2x128xi32, #tpu.memory_space<hbm>>
      %dma_wait3A_80 = tpu.memref_squeeze %dma_wait3A_79 : memref<1x2x128xi32, #tpu.memory_space<hbm>> -> memref<2x128xi32, #tpu.memory_space<hbm>>
      tpu.wait_dma2 semaphore(%run_scoped3A_64 : memref<!tpu.dma_semaphore, #tpu.memory_space<semaphore_mem>>) src(%dma_wait3A_80 : memref<2x128xi32, #tpu.memory_space<hbm>>) dst(%arg7 : memref<2x128xi32, #tpu.memory_space<vmem>>)
      tpu.yield
    }) : () -> ()
    %dma_start3A_28 = arith.constant 0 : i32
    %dma_start3A_29 = arith.constant 0 : i32
    %dma_start3A_30 = tpu.memref_slice %arg7[%dma_start3A_28, %dma_start3A_29] : memref<2x128xi32, #tpu.memory_space<vmem>> -> memref<1x128xi32, #tpu.memory_space<vmem>>
    %dma_start3A_31 = tpu.memref_squeeze %dma_start3A_30 : memref<1x128xi32, #tpu.memory_space<vmem>> -> memref<128xi32, #tpu.memory_space<vmem>>
    %dma_start3A_32 = arith.constant 0 : i32
    %dma_start3A_33 = arith.constant 0 : i32
    %dma_start3A_34 = tpu.memref_slice %arg2[%dma_start3A_32, %dma_start3A_33] : memref<10000x128xf32, #tpu.memory_space<hbm>> -> memref<10000x128xf32, #tpu.memory_space<hbm>>
    tpu.enqueue_indirect_dma source(%dma_start3A_34 : memref<10000x128xf32, #tpu.memory_space<hbm>>) target(%arg9 : memref<128x128xf32, #tpu.memory_space<vmem>>) offsets(%dma_start3A_31 : memref<128xi32, #tpu.memory_space<vmem>>) semaphore(%arg12 : memref<!tpu.dma_semaphore, #tpu.memory_space<semaphore_mem>>)
    %dma_wait3A = arith.constant 0 : i32
    %dma_wait3A_35 = arith.constant 0 : i32
    %dma_wait3A_36 = tpu.memref_slice %arg6[%dma_wait3A, %dma_wait3A_35] : memref<2x128xi32, #tpu.memory_space<vmem>> -> memref<1x128xi32, #tpu.memory_space<vmem>>
    %dma_wait3A_37 = tpu.memref_squeeze %dma_wait3A_36 : memref<1x128xi32, #tpu.memory_space<vmem>> -> memref<128xi32, #tpu.memory_space<vmem>>
    %dma_wait3A_38 = arith.constant 0 : i32
    %dma_wait3A_39 = arith.constant 0 : i32
    %dma_wait3A_40 = tpu.memref_slice %arg2[%dma_wait3A_38, %dma_wait3A_39] : memref<10000x128xf32, #tpu.memory_space<hbm>> -> memref<10000x128xf32, #tpu.memory_space<hbm>>
    tpu.wait_indirect_dma semaphore(%arg11 : memref<!tpu.dma_semaphore, #tpu.memory_space<semaphore_mem>>) src(%dma_wait3A_40 : memref<10000x128xf32, #tpu.memory_space<hbm>>) dst(%arg8 : memref<128x128xf32, #tpu.memory_space<vmem>>)
    %run_scoped3A = arith.constant 1 : i32
    "tpu.region"() ({
      %run_scoped3A_64 = tpu.sem_alloc : memref<!tpu.dma_semaphore, #tpu.memory_space<semaphore_mem>>
      %dma_start3A_65 = arith.constant 0 : i32
      %dma_start3A_66 = tpu.memref_slice %arg6[%run_scoped3A, %dma_start3A_65] : memref<2x128xi32, #tpu.memory_space<vmem>> -> memref<1x128xi32, #tpu.memory_space<vmem>>
      %dma_start3A_67 = tpu.memref_squeeze %dma_start3A_66 : memref<1x128xi32, #tpu.memory_space<vmem>> -> memref<128xi32, #tpu.memory_space<vmem>>
      %dma_start3A_68 = arith.constant 0 : i32
      %dma_start3A_69 = arith.constant 0 : i32
      %dma_start3A_70 = tpu.memref_slice %arg10[%dma_start3A_68, %dma_start3A_69] : memref<10128x128xf32, #tpu.memory_space<vmem_shared>> -> memref<10128x128xf32, #tpu.memory_space<vmem_shared>>
      tpu.enqueue_indirect_dma source(%arg8 : memref<128x128xf32, #tpu.memory_space<vmem>>) target(%dma_start3A_70 : memref<10128x128xf32, #tpu.memory_space<vmem_shared>>) offsets(%dma_start3A_67 : memref<128xi32, #tpu.memory_space<vmem>>) semaphore(%run_scoped3A_64 : memref<!tpu.dma_semaphore, #tpu.memory_space<semaphore_mem>>) {add = true}
      %dma_wait3A_71 = arith.constant 0 : i32
      %dma_wait3A_72 = tpu.memref_slice %arg6[%run_scoped3A, %dma_wait3A_71] : memref<2x128xi32, #tpu.memory_space<vmem>> -> memref<1x128xi32, #tpu.memory_space<vmem>>
      %dma_wait3A_73 = tpu.memref_squeeze %dma_wait3A_72 : memref<1x128xi32, #tpu.memory_space<vmem>> -> memref<128xi32, #tpu.memory_space<vmem>>
      %dma_wait3A_74 = arith.constant 0 : i32
      %dma_wait3A_75 = arith.constant 0 : i32
      %dma_wait3A_76 = tpu.memref_slice %arg10[%dma_wait3A_74, %dma_wait3A_75] : memref<10128x128xf32, #tpu.memory_space<vmem_shared>> -> memref<10128x128xf32, #tpu.memory_space<vmem_shared>>
      tpu.wait_indirect_dma semaphore(%run_scoped3A_64 : memref<!tpu.dma_semaphore, #tpu.memory_space<semaphore_mem>>) src(%arg8 : memref<128x128xf32, #tpu.memory_space<vmem>>) dst(%dma_wait3A_76 : memref<10128x128xf32, #tpu.memory_space<vmem_shared>>)
      tpu.yield
    }) : () -> ()
    %add3A_41 = arith.constant 80 : i32
    %add3A_42 = arith.addi %mul3A_10, %add3A_41 : i32
    %sub3A_43 = arith.constant 1 : i32
    %sub3A_44 = arith.subi %add3A_42, %sub3A_43 : i32
    %dma_wait3A_45 = arith.constant 0 : i32
    %dma_wait3A_46 = arith.constant 0 : i32
    %dma_wait3A_47 = tpu.memref_slice %arg7[%dma_wait3A_45, %dma_wait3A_46] : memref<2x128xi32, #tpu.memory_space<vmem>> -> memref<1x128xi32, #tpu.memory_space<vmem>>
    %dma_wait3A_48 = tpu.memref_squeeze %dma_wait3A_47 : memref<1x128xi32, #tpu.memory_space<vmem>> -> memref<128xi32, #tpu.memory_space<vmem>>
    %dma_wait3A_49 = arith.constant 0 : i32
    %dma_wait3A_50 = arith.constant 0 : i32
    %dma_wait3A_51 = tpu.memref_slice %arg2[%dma_wait3A_49, %dma_wait3A_50] : memref<10000x128xf32, #tpu.memory_space<hbm>> -> memref<10000x128xf32, #tpu.memory_space<hbm>>
    tpu.wait_indirect_dma semaphore(%arg12 : memref<!tpu.dma_semaphore, #tpu.memory_space<semaphore_mem>>) src(%dma_wait3A_51 : memref<10000x128xf32, #tpu.memory_space<hbm>>) dst(%arg9 : memref<128x128xf32, #tpu.memory_space<vmem>>)
    %run_scoped3A_52 = arith.constant 1 : i32
    "tpu.region"() ({
      %run_scoped3A_64 = tpu.sem_alloc : memref<!tpu.dma_semaphore, #tpu.memory_space<semaphore_mem>>
      %dma_start3A_65 = arith.constant 0 : i32
      %dma_start3A_66 = tpu.memref_slice %arg7[%run_scoped3A_52, %dma_start3A_65] : memref<2x128xi32, #tpu.memory_space<vmem>> -> memref<1x128xi32, #tpu.memory_space<vmem>>
      %dma_start3A_67 = tpu.memref_squeeze %dma_start3A_66 : memref<1x128xi32, #tpu.memory_space<vmem>> -> memref<128xi32, #tpu.memory_space<vmem>>
      %dma_start3A_68 = arith.constant 0 : i32
      %dma_start3A_69 = arith.constant 0 : i32
      %dma_start3A_70 = tpu.memref_slice %arg10[%dma_start3A_68, %dma_start3A_69] : memref<10128x128xf32, #tpu.memory_space<vmem_shared>> -> memref<10128x128xf32, #tpu.memory_space<vmem_shared>>
      tpu.enqueue_indirect_dma source(%arg9 : memref<128x128xf32, #tpu.memory_space<vmem>>) target(%dma_start3A_70 : memref<10128x128xf32, #tpu.memory_space<vmem_shared>>) offsets(%dma_start3A_67 : memref<128xi32, #tpu.memory_space<vmem>>) semaphore(%run_scoped3A_64 : memref<!tpu.dma_semaphore, #tpu.memory_space<semaphore_mem>>) {add = true}
      %dma_wait3A_71 = arith.constant 0 : i32
      %dma_wait3A_72 = tpu.memref_slice %arg7[%run_scoped3A_52, %dma_wait3A_71] : memref<2x128xi32, #tpu.memory_space<vmem>> -> memref<1x128xi32, #tpu.memory_space<vmem>>
      %dma_wait3A_73 = tpu.memref_squeeze %dma_wait3A_72 : memref<1x128xi32, #tpu.memory_space<vmem>> -> memref<128xi32, #tpu.memory_space<vmem>>
      %dma_wait3A_74 = arith.constant 0 : i32
      %dma_wait3A_75 = arith.constant 0 : i32
      %dma_wait3A_76 = tpu.memref_slice %arg10[%dma_wait3A_74, %dma_wait3A_75] : memref<10128x128xf32, #tpu.memory_space<vmem_shared>> -> memref<10128x128xf32, #tpu.memory_space<vmem_shared>>
      tpu.wait_indirect_dma semaphore(%run_scoped3A_64 : memref<!tpu.dma_semaphore, #tpu.memory_space<semaphore_mem>>) src(%arg9 : memref<128x128xf32, #tpu.memory_space<vmem>>) dst(%dma_wait3A_76 : memref<10128x128xf32, #tpu.memory_space<vmem_shared>>)
      tpu.yield
    }) : () -> ()
    %barrier3A_53 = arith.constant 0 : index
    tpu.barrier barrier_id(%barrier3A_53)
    %lt3A_54 = arith.constant 15 : i32
    %lt3A_55 = arith.cmpi slt, %arg1, %lt3A_54 : i32
    %convert_element_type3A_56 = arith.extui %lt3A_55 : i1 to i32
    %cond3A_57 = arith.constant 0 : i32
    %cond3A_58 = arith.cmpi ne, %convert_element_type3A_56, %cond3A_57 : i32
    scf.if %cond3A_58 {
      "tpu.region"() ({
        %run_scoped3A_64 = tpu.sem_alloc : memref<!tpu.dma_semaphore, #tpu.memory_space<semaphore_mem>>
        %dma_start3A_65 = arith.constant 0 : i32
        %dma_start3A_66 = tpu.memref_slice %arg5[%arg0, %multiple_of3A, %dma_start3A_65] : memref<2x10000x128xf32, #tpu.memory_space<hbm>> -> memref<1x624x128xf32, #tpu.memory_space<hbm>>
        %dma_start3A_67 = tpu.memref_squeeze %dma_start3A_66 : memref<1x624x128xf32, #tpu.memory_space<hbm>> -> memref<624x128xf32, #tpu.memory_space<hbm>>
        %dma_start3A_68 = arith.constant 0 : i32
        %dma_start3A_69 = tpu.memref_slice %arg10[%multiple_of3A, %dma_start3A_68] : memref<10128x128xf32, #tpu.memory_space<vmem_shared>> -> memref<624x128xf32, #tpu.memory_space<vmem_shared>>
        tpu.enqueue_dma source(%dma_start3A_69 : memref<624x128xf32, #tpu.memory_space<vmem_shared>>) target(%dma_start3A_67 : memref<624x128xf32, #tpu.memory_space<hbm>>) target_semaphore(%run_scoped3A_64 : memref<!tpu.dma_semaphore, #tpu.memory_space<semaphore_mem>>)
        %dma_wait3A_70 = arith.constant 0 : i32
        %dma_wait3A_71 = tpu.memref_slice %arg5[%arg0, %multiple_of3A, %dma_wait3A_70] : memref<2x10000x128xf32, #tpu.memory_space<hbm>> -> memref<1x624x128xf32, #tpu.memory_space<hbm>>
        %dma_wait3A_72 = tpu.memref_squeeze %dma_wait3A_71 : memref<1x624x128xf32, #tpu.memory_space<hbm>> -> memref<624x128xf32, #tpu.memory_space<hbm>>
        %dma_wait3A_73 = arith.constant 0 : i32
        %dma_wait3A_74 = tpu.memref_slice %arg10[%multiple_of3A, %dma_wait3A_73] : memref<10128x128xf32, #tpu.memory_space<vmem_shared>> -> memref<624x128xf32, #tpu.memory_space<vmem_shared>>
        tpu.wait_dma2 semaphore(%run_scoped3A_64 : memref<!tpu.dma_semaphore, #tpu.memory_space<semaphore_mem>>) src(%dma_wait3A_74 : memref<624x128xf32, #tpu.memory_space<vmem_shared>>) dst(%dma_wait3A_72 : memref<624x128xf32, #tpu.memory_space<hbm>>)
        tpu.yield
      }) : () -> ()
    } else {
    }
    %eq3A_59 = arith.constant 15 : i32
    %eq3A_60 = arith.cmpi eq, %arg1, %eq3A_59 : i32
    %convert_element_type3A_61 = arith.extui %eq3A_60 : i1 to i32
    %cond3A_62 = arith.constant 0 : i32
    %cond3A_63 = arith.cmpi ne, %convert_element_type3A_61, %cond3A_62 : i32
    scf.if %cond3A_63 {
      "tpu.region"() ({
        %run_scoped3A_64 = tpu.sem_alloc : memref<!tpu.dma_semaphore, #tpu.memory_space<semaphore_mem>>
        %dma_start3A_65 = arith.constant 0 : i32
        %dma_start3A_66 = tpu.memref_slice %arg5[%arg0, %multiple_of3A, %dma_start3A_65] : memref<2x10000x128xf32, #tpu.memory_space<hbm>> -> memref<1x640x128xf32, #tpu.memory_space<hbm>>
        %dma_start3A_67 = tpu.memref_squeeze %dma_start3A_66 : memref<1x640x128xf32, #tpu.memory_space<hbm>> -> memref<640x128xf32, #tpu.memory_space<hbm>>
        %dma_start3A_68 = arith.constant 0 : i32
        %dma_start3A_69 = tpu.memref_slice %arg10[%multiple_of3A, %dma_start3A_68] : memref<10128x128xf32, #tpu.memory_space<vmem_shared>> -> memref<640x128xf32, #tpu.memory_space<vmem_shared>>
        tpu.enqueue_dma source(%dma_start3A_69 : memref<640x128xf32, #tpu.memory_space<vmem_shared>>) target(%dma_start3A_67 : memref<640x128xf32, #tpu.memory_space<hbm>>) target_semaphore(%run_scoped3A_64 : memref<!tpu.dma_semaphore, #tpu.memory_space<semaphore_mem>>)
        %dma_wait3A_70 = arith.constant 0 : i32
        %dma_wait3A_71 = tpu.memref_slice %arg5[%arg0, %multiple_of3A, %dma_wait3A_70] : memref<2x10000x128xf32, #tpu.memory_space<hbm>> -> memref<1x640x128xf32, #tpu.memory_space<hbm>>
        %dma_wait3A_72 = tpu.memref_squeeze %dma_wait3A_71 : memref<1x640x128xf32, #tpu.memory_space<hbm>> -> memref<640x128xf32, #tpu.memory_space<hbm>>
        %dma_wait3A_73 = arith.constant 0 : i32
        %dma_wait3A_74 = tpu.memref_slice %arg10[%multiple_of3A, %dma_wait3A_73] : memref<10128x128xf32, #tpu.memory_space<vmem_shared>> -> memref<640x128xf32, #tpu.memory_space<vmem_shared>>
        tpu.wait_dma2 semaphore(%run_scoped3A_64 : memref<!tpu.dma_semaphore, #tpu.memory_space<semaphore_mem>>) src(%dma_wait3A_74 : memref<640x128xf32, #tpu.memory_space<vmem_shared>>) dst(%dma_wait3A_72 : memref<640x128xf32, #tpu.memory_space<hbm>>)
        tpu.yield
      }) : () -> ()
    } else {
    }
    return
  }
}

module attributes {stable_mosaic.version = 14 : i64} {
  func.func @body(%arg0: i32, %arg1: memref<2x1000x128xf32, #tpu.memory_space<vmem>>, %arg2: memref<128x64xf32, #tpu.memory_space<vmem>>, %arg3: memref<1x64xf32, #tpu.memory_space<vmem>>, %arg4: memref<64x16xf32, #tpu.memory_space<vmem>>, %arg5: memref<1x16xf32, #tpu.memory_space<vmem>>, %arg6: memref<16x64xf32, #tpu.memory_space<vmem>>, %arg7: memref<1x64xf32, #tpu.memory_space<vmem>>, %arg8: memref<64x1xf32, #tpu.memory_space<vmem>>, %arg9: memref<1x1xf32, #tpu.memory_space<vmem>>, %arg10: memref<1x16xf32, #tpu.memory_space<vmem>>, %arg11: memref<1x1xf32, #tpu.memory_space<vmem>>, %arg12: memref<1x16xf32, #tpu.memory_space<vmem>>) attributes {dimension_semantics = [#tpu.dimension_semantics<arbitrary>], iteration_bounds = array<i64: 10>, scalar_prefetch = 0 : i64, scratch_operands = 1 : i64, tpu.core_type = #tpu.core_type<tc>, window_params = [{transform_indices = @transform_0, window_bounds = array<i64: 2, 1000, 128>}, {pipeline_mode = #tpu.pipeline_mode<synchronous>, transform_indices = @transform_1, window_bounds = array<i64: 128, 64>}, {pipeline_mode = #tpu.pipeline_mode<synchronous>, transform_indices = @transform_2, window_bounds = array<i64: 1, 64>}, {pipeline_mode = #tpu.pipeline_mode<synchronous>, transform_indices = @transform_3, window_bounds = array<i64: 64, 16>}, {pipeline_mode = #tpu.pipeline_mode<synchronous>, transform_indices = @transform_4, window_bounds = array<i64: 1, 16>}, {pipeline_mode = #tpu.pipeline_mode<synchronous>, transform_indices = @transform_5, window_bounds = array<i64: 16, 64>}, {pipeline_mode = #tpu.pipeline_mode<synchronous>, transform_indices = @transform_6, window_bounds = array<i64: 1, 64>}, {pipeline_mode = #tpu.pipeline_mode<synchronous>, transform_indices = @transform_7, window_bounds = array<i64: 64, 1>}, {pipeline_mode = #tpu.pipeline_mode<synchronous>, transform_indices = @transform_8, window_bounds = array<i64: 1, 1>}, {pipeline_mode = #tpu.pipeline_mode<synchronous>, transform_indices = @transform_9, window_bounds = array<i64: 1, 16>}, {pipeline_mode = #tpu.pipeline_mode<synchronous>, transform_indices = @transform_10, window_bounds = array<i64: 1, 1>}]} {
    %get3A = arith.constant 0 : index
    %get3A_0 = arith.constant 0 : index
    %get3A_1 = arith.constant 0 : index
    %get3A_2 = vector.load %arg1[%get3A, %get3A_0, %get3A_1] : memref<2x1000x128xf32, #tpu.memory_space<vmem>>, vector<1x1000x128xf32>
    %get3A_3 = vector.shape_cast %get3A_2 : vector<1x1000x128xf32> to vector<1000x128xf32>
    %get3A_4 = arith.constant 1 : index
    %get3A_5 = arith.constant 0 : index
    %get3A_6 = arith.constant 0 : index
    %get3A_7 = vector.load %arg1[%get3A_4, %get3A_5, %get3A_6] : memref<2x1000x128xf32, #tpu.memory_space<vmem>>, vector<1x1000x128xf32>
    %get3A_8 = vector.shape_cast %get3A_7 : vector<1x1000x128xf32> to vector<1000x128xf32>
    %add3A = arith.addf %get3A_3, %get3A_8 : vector<1000x128xf32>
    %get3A_9 = arith.constant 0 : index
    %get3A_10 = arith.constant 0 : index
    %get3A_11 = vector.load %arg2[%get3A_9, %get3A_10] : memref<128x64xf32, #tpu.memory_space<vmem>>, vector<128x64xf32>
    %dot_general3A = arith.constant dense<0.000000e+00> : vector<1000x64xf32>
    %dot_general3A_12 = tpu.matmul %add3A, %get3A_11, %dot_general3A {dimension_numbers = #tpu.dot_dimension_numbers<[1], [0], [0], [1], [0, 0, 1, 1], [], []>, transpose_lhs_hint = false} : vector<1000x128xf32>, vector<128x64xf32>, vector<1000x64xf32> -> vector<1000x64xf32>
    %get3A_13 = arith.constant 0 : index
    %get3A_14 = arith.constant 0 : index
    %get3A_15 = vector.load %arg3[%get3A_13, %get3A_14] : memref<1x64xf32, #tpu.memory_space<vmem>>, vector<1x64xf32>
    %add3A_16 = vector.broadcast %get3A_15 : vector<1x64xf32> to vector<1000x64xf32>
    %add3A_17 = arith.addf %dot_general3A_12, %add3A_16 : vector<1000x64xf32>
    %max3A = arith.constant 0.000000e+00 : f32
    %max3A_18 = vector.broadcast %max3A : f32 to vector<1000x64xf32>
    %max3A_19 = arith.maximumf %add3A_17, %max3A_18 : vector<1000x64xf32>
    %get3A_20 = arith.constant 0 : index
    %get3A_21 = arith.constant 0 : index
    %get3A_22 = vector.load %arg4[%get3A_20, %get3A_21] : memref<64x16xf32, #tpu.memory_space<vmem>>, vector<64x16xf32>
    %dot_general3A_23 = arith.constant dense<0.000000e+00> : vector<1000x16xf32>
    %dot_general3A_24 = tpu.matmul %max3A_19, %get3A_22, %dot_general3A_23 {dimension_numbers = #tpu.dot_dimension_numbers<[1], [0], [0], [1], [0, 0, 1, 1], [], []>, transpose_lhs_hint = false} : vector<1000x64xf32>, vector<64x16xf32>, vector<1000x16xf32> -> vector<1000x16xf32>
    %get3A_25 = arith.constant 0 : index
    %get3A_26 = arith.constant 0 : index
    %get3A_27 = vector.load %arg5[%get3A_25, %get3A_26] : memref<1x16xf32, #tpu.memory_space<vmem>>, vector<1x16xf32>
    %add3A_28 = vector.broadcast %get3A_27 : vector<1x16xf32> to vector<1000x16xf32>
    %add3A_29 = arith.addf %dot_general3A_24, %add3A_28 : vector<1000x16xf32>
    %reduce_max3A = arith.constant dense<0xFF800000> : vector<1000xf32>
    %reduce_max3A_30 = vector.multi_reduction <maximumf>, %add3A_29, %reduce_max3A [1] : vector<1000x16xf32> to vector<1000xf32>
    %broadcast_in_dim3A = vector.shape_cast %reduce_max3A_30 : vector<1000xf32> to vector<1000x1xf32>
    %sub3A = vector.broadcast %broadcast_in_dim3A : vector<1000x1xf32> to vector<1000x16xf32>
    %sub3A_31 = arith.subf %add3A_29, %sub3A : vector<1000x16xf32>
    %exp3A = math.exp %sub3A_31 : vector<1000x16xf32>
    %reduce_sum3A = arith.constant dense<0.000000e+00> : vector<1000xf32>
    %reduce_sum3A_32 = vector.multi_reduction <add>, %exp3A, %reduce_sum3A [1] : vector<1000x16xf32> to vector<1000xf32>
    %broadcast_in_dim3A_33 = vector.shape_cast %reduce_sum3A_32 : vector<1000xf32> to vector<1000x1xf32>
    %div3A = vector.broadcast %broadcast_in_dim3A_33 : vector<1000x1xf32> to vector<1000x16xf32>
    %div3A_34 = arith.divf %exp3A, %div3A : vector<1000x16xf32>
    %reduce_sum3A_35 = arith.constant dense<0.000000e+00> : vector<16xf32>
    %reduce_sum3A_36 = vector.multi_reduction <add>, %div3A_34, %reduce_sum3A_35 [0] : vector<1000x16xf32> to vector<16xf32>
    %broadcast_in_dim3A_37 = vector.shape_cast %reduce_sum3A_36 : vector<16xf32> to vector<1x16xf32>
    %eq3A = arith.constant 0 : i32
    %eq3A_38 = arith.cmpi eq, %arg0, %eq3A : i32
    %convert_element_type3A = arith.extui %eq3A_38 : i1 to i32
    %cond3A = arith.constant 0 : i32
    %cond3A_39 = arith.cmpi ne, %convert_element_type3A, %cond3A : i32
    scf.if %cond3A_39 {
      %swap3A = arith.constant 0 : index
      %swap3A_49 = arith.constant 0 : index
      %swap3A_50 = vector.load %arg12[%swap3A, %swap3A_49] : memref<1x16xf32, #tpu.memory_space<vmem>>, vector<1x16xf32>
      tpu.vector_store %arg12[%swap3A, %swap3A_49], %broadcast_in_dim3A_37 {strides = array<i32>} : memref<1x16xf32, #tpu.memory_space<vmem>>, vector<1x16xf32>,
    } else {
    }
    %gt3A = arith.constant 0 : i32
    %gt3A_40 = arith.cmpi sgt, %arg0, %gt3A : i32
    %convert_element_type3A_41 = arith.extui %gt3A_40 : i1 to i32
    %cond3A_42 = arith.constant 0 : i32
    %cond3A_43 = arith.cmpi ne, %convert_element_type3A_41, %cond3A_42 : i32
    scf.if %cond3A_43 {
      %get3A_49 = arith.constant 0 : index
      %get3A_50 = arith.constant 0 : index
      %get3A_51 = vector.load %arg12[%get3A_49, %get3A_50] : memref<1x16xf32, #tpu.memory_space<vmem>>, vector<1x16xf32>
      %add3A_52 = arith.addf %get3A_51, %broadcast_in_dim3A_37 : vector<1x16xf32>
      %swap3A = arith.constant 0 : index
      %swap3A_53 = arith.constant 0 : index
      %swap3A_54 = vector.load %arg12[%swap3A, %swap3A_53] : memref<1x16xf32, #tpu.memory_space<vmem>>, vector<1x16xf32>
      tpu.vector_store %arg12[%swap3A, %swap3A_53], %add3A_52 {strides = array<i32>} : memref<1x16xf32, #tpu.memory_space<vmem>>, vector<1x16xf32>,
    } else {
    }
    %eq3A_44 = arith.constant 9 : i32
    %eq3A_45 = arith.cmpi eq, %arg0, %eq3A_44 : i32
    %convert_element_type3A_46 = arith.extui %eq3A_45 : i1 to i32
    %cond3A_47 = arith.constant 0 : i32
    %cond3A_48 = arith.cmpi ne, %convert_element_type3A_46, %cond3A_47 : i32
    scf.if %cond3A_48 {
      %get3A_49 = arith.constant 0 : index
      %get3A_50 = arith.constant 0 : index
      %get3A_51 = vector.load %arg12[%get3A_49, %get3A_50] : memref<1x16xf32, #tpu.memory_space<vmem>>, vector<1x16xf32>
      %mul3A = arith.constant 2.000000e+00 : f32
      %mul3A_52 = vector.broadcast %mul3A : f32 to vector<1x16xf32>
      %mul3A_53 = arith.mulf %get3A_51, %mul3A_52 : vector<1x16xf32>
      %swap3A = arith.constant 0 : index
      %swap3A_54 = arith.constant 0 : index
      %swap3A_55 = vector.load %arg10[%swap3A, %swap3A_54] : memref<1x16xf32, #tpu.memory_space<vmem>>, vector<1x16xf32>
      tpu.vector_store %arg10[%swap3A, %swap3A_54], %mul3A_53 {strides = array<i32>} : memref<1x16xf32, #tpu.memory_space<vmem>>, vector<1x16xf32>,
      %get3A_56 = arith.constant 0 : index
      %get3A_57 = arith.constant 0 : index
      %get3A_58 = vector.load %arg6[%get3A_56, %get3A_57] : memref<16x64xf32, #tpu.memory_space<vmem>>, vector<16x64xf32>
      %dot_general3A_59 = arith.constant dense<0.000000e+00> : vector<1x64xf32>
      %dot_general3A_60 = tpu.matmul %mul3A_53, %get3A_58, %dot_general3A_59 {dimension_numbers = #tpu.dot_dimension_numbers<[1], [0], [0], [1], [0, 0, 1, 1], [], []>, transpose_lhs_hint = false} : vector<1x16xf32>, vector<16x64xf32>, vector<1x64xf32> -> vector<1x64xf32>
      %get3A_61 = arith.constant 0 : index
      %get3A_62 = arith.constant 0 : index
      %get3A_63 = vector.load %arg7[%get3A_61, %get3A_62] : memref<1x64xf32, #tpu.memory_space<vmem>>, vector<1x64xf32>
      %add3A_64 = arith.addf %dot_general3A_60, %get3A_63 : vector<1x64xf32>
      %max3A_65 = arith.constant 0.000000e+00 : f32
      %max3A_66 = vector.broadcast %max3A_65 : f32 to vector<1x64xf32>
      %max3A_67 = arith.maximumf %add3A_64, %max3A_66 : vector<1x64xf32>
      %get3A_68 = arith.constant 0 : index
      %get3A_69 = arith.constant 0 : index
      %get3A_70 = vector.load %arg8[%get3A_68, %get3A_69] : memref<64x1xf32, #tpu.memory_space<vmem>>, vector<64x1xf32>
      %dot_general3A_71 = arith.constant dense<0.000000e+00> : vector<1x1xf32>
      %dot_general3A_72 = tpu.matmul %max3A_67, %get3A_70, %dot_general3A_71 {dimension_numbers = #tpu.dot_dimension_numbers<[1], [0], [0], [1], [0, 0, 1, 1], [], []>, transpose_lhs_hint = false} : vector<1x64xf32>, vector<64x1xf32>, vector<1x1xf32> -> vector<1x1xf32>
      %get3A_73 = arith.constant 0 : index
      %get3A_74 = arith.constant 0 : index
      %get3A_75 = vector.load %arg9[%get3A_73, %get3A_74] : memref<1x1xf32, #tpu.memory_space<vmem>>, vector<1x1xf32>
      %add3A_76 = arith.addf %dot_general3A_72, %get3A_75 : vector<1x1xf32>
      %swap3A_77 = arith.constant 0 : index
      %swap3A_78 = arith.constant 0 : index
      %swap3A_79 = vector.load %arg11[%swap3A_77, %swap3A_78] : memref<1x1xf32, #tpu.memory_space<vmem>>, vector<1x1xf32>
      tpu.vector_store %arg11[%swap3A_77, %swap3A_78], %add3A_76 {strides = array<i32>} : memref<1x1xf32, #tpu.memory_space<vmem>>, vector<1x1xf32>,
    } else {
    }
    return
  }
  func.func @transform_0(%arg0: i32) -> (i32, i32, i32) {
    %c0_i32 = arith.constant 0 : i32
    %c0_i32_0 = arith.constant 0 : i32
    %c0_i32_1 = arith.constant 0 : i32
    return %c0_i32, %arg0, %c0_i32_0 : i32, i32, i32
  }
  func.func @transform_1(%arg0: i32) -> (i32, i32) {
    %c0_i32 = arith.constant 0 : i32
    %c0_i32_0 = arith.constant 0 : i32
    %c0_i32_1 = arith.constant 0 : i32
    return %c0_i32, %c0_i32_0 : i32, i32
  }
  func.func @transform_2(%arg0: i32) -> (i32, i32) {
    %c0_i32 = arith.constant 0 : i32
    %c0_i32_0 = arith.constant 0 : i32
    %c0_i32_1 = arith.constant 0 : i32
    return %c0_i32, %c0_i32_0 : i32, i32
  }
  func.func @transform_3(%arg0: i32) -> (i32, i32) {
    %c0_i32 = arith.constant 0 : i32
    %c0_i32_0 = arith.constant 0 : i32
    %c0_i32_1 = arith.constant 0 : i32
    return %c0_i32, %c0_i32_0 : i32, i32
  }
  func.func @transform_4(%arg0: i32) -> (i32, i32) {
    %c0_i32 = arith.constant 0 : i32
    %c0_i32_0 = arith.constant 0 : i32
    %c0_i32_1 = arith.constant 0 : i32
    return %c0_i32, %c0_i32_0 : i32, i32
  }
  func.func @transform_5(%arg0: i32) -> (i32, i32) {
    %c0_i32 = arith.constant 0 : i32
    %c0_i32_0 = arith.constant 0 : i32
    %c0_i32_1 = arith.constant 0 : i32
    return %c0_i32, %c0_i32_0 : i32, i32
  }
  func.func @transform_6(%arg0: i32) -> (i32, i32) {
    %c0_i32 = arith.constant 0 : i32
    %c0_i32_0 = arith.constant 0 : i32
    %c0_i32_1 = arith.constant 0 : i32
    return %c0_i32, %c0_i32_0 : i32, i32
  }
  func.func @transform_7(%arg0: i32) -> (i32, i32) {
    %c0_i32 = arith.constant 0 : i32
    %c0_i32_0 = arith.constant 0 : i32
    %c0_i32_1 = arith.constant 0 : i32
    return %c0_i32, %c0_i32_0 : i32, i32
  }
  func.func @transform_8(%arg0: i32) -> (i32, i32) {
    %c0_i32 = arith.constant 0 : i32
    %c0_i32_0 = arith.constant 0 : i32
    %c0_i32_1 = arith.constant 0 : i32
    return %c0_i32, %c0_i32_0 : i32, i32
  }
  func.func @transform_9(%arg0: i32) -> (i32, i32) {
    %c0_i32 = arith.constant 0 : i32
    %c0_i32_0 = arith.constant 0 : i32
    %c0_i32_1 = arith.constant 0 : i32
    return %c0_i32, %c0_i32_0 : i32, i32
  }
  func.func @transform_10(%arg0: i32) -> (i32, i32) {
    %c0_i32 = arith.constant 0 : i32
    %c0_i32_0 = arith.constant 0 : i32
    %c0_i32_1 = arith.constant 0 : i32
    return %c0_i32, %c0_i32_0 : i32, i32
  }
}

</mosaic_0001>

<sc_bundles>
// kernel: kernel.4.cloned.1.call-start
scs
__scs_entry_jumppad:
0x0: {  	(pc) =	sbr.rel $0x88, $3  }
0x1: {  	(tag) =	ssettag $0x0;
	lr =	simm.s32 $0x1  }
0x2: {  	[smem:$0x3F97] =	sst lr;
	_ =	strace $0xD0000000  }
0x3: {  	_ = 	snop  }
0x4: {  	_ = 	snop  }
0x5: {  	_ = 	snop  }
0x6: {  	_ = 	snop  }
0x7: {  	_ = 	snop  }
__scs_overlays_trampoline_lowered:
0x8: {  	[smem:$0x3FA6] =	sst s0  }
0x9: {  	[smem:$0x3FA7] =	sst s1  }
0xa: {  	[smem:$0x3FA8] =	sst s2  }
0xb: {  	[smem:$0x3FA9] =	sst s3  }
0xc: {  	[smem:$0x3FAA] =	sst s4  }
0xd: {  	[smem:$0x3FAB] =	sst s5  }
0xe: {  	[smem:$0x3FAC] =	sst s6  }
0xf: {  	[smem:$0x3FAD] =	sst s7  }
0x10: {  	[smem:$0x3FAE] =	sst s8  }
0x11: {  	[smem:$0x3FAF] =	sst s9;
	s0 =	simm.s32 @!p0 $0x0  }
0x12: {  	s1 =	sld [smem:$0x3F95];
	s0 =	simm.s32 @p0 $0x1  }
0x13: {  	[smem:$0x3FB0] =	sst s0;
	s0 =	simm.s32 @!p1 $0x0  }
0x14: {  	s2 =	sld [smem:$0x3F94];
	s0 =	simm.s32 @p1 $0x1  }
0x15: {  	[smem:$0x3FB1] =	sst s0;
	s0 =	simm.s32 @!p2 $0x0  }
0x16: {  	s3 =	sld [smem:$0x3FDB];
	s0 =	simm.s32 @p2 $0x1  }
0x17: {  	s4 =	simm.s32 $0x1BF5;
	[smem:$0x3FB3] =	sst s0  }
0x18: {  	s0 =	sld [smem:$0x3F96];
	_ =	swait.ge [sflag:s4], $0x0  }
0x19: {  	s7 =	sld [smem:$0x3F97]  }
0x1a: {  	s8 =	sadd.s32 $0xFFFFE003, lr  }
0x1b: {  	s9 =	sadd.s32 $0xFFFFFEF7, lr;
	s5 =	simm.s32 $0xFFFFFFFF;
	p2 =	slt.u32 s8, $0xFFFFF086  }
0x1c: {  	p1 =	slt.u32 s9, $0xF7A;
	s5 =	simm.s32 @!p2 $0x0  }
0x1d: {  	s5 =	simm.s32 @p1 $0x1;
	p0 =	seq.s32 s7, s2  }
0x1e: {  	s7 =	smul.u32 @!p0 $0xF7A, s2;
	p2 =	seq.s32 @!p0 s5, $0x0  }
0x1f: {  	s9 =	smul.u32 $0xF7A, s1;
	s8 =	simm.s32 @!p0 $0x1BF5;
	p2 =	por !p2, p0  }
0x20: {  	[sflag:s8] =	ssyncset.s32 @!p0 $0xFFFFF086;
	s6 =	sadd.s32 @!p0 s3, s7;
	s7 =	simm.s32 @!p0 $0x108  }
0x21: {  	s3 =	sadd.s32 s3, s9;
	s6 =	sadd.s32 @!p0 $0x88, s6;
	s7 =	simm.s32 @p2 $0x1082  }
0x22: {  	[simem:s7], [sflag:s8] =	dma.local @!p0 [hbm:s6], $0xF7A  }
0x23: {  	s9 =	sor.u32 $0xD0000000, s2;
	s6 =	simm.s32 $0x108;
	_ =	swait.ge @!p0 [sflag:s8], $0x0  }
0x24: {  	s3 =	sadd.s32 $0x88, s3;
	s6 =	simm.s32 @!p1 $0x1082;
	[sflag:s4] =	ssyncset.s32 $0xFFFFF086  }
0x25: {  	[simem:s6], [sflag:s4] =	dma.local [hbm:s3], $0xF7A  }
0x26: {  	[smem:$0x3F97] =	sst s1;
	(tag) =	ssettag s2;
	_ =	strace s9  }
0x27: {  	s1 =	sld [smem:$0x3FA7]  }
0x28: {  	s2 =	sld [smem:$0x3FA8]  }
0x29: {  	s4 =	sld [smem:$0x3FAA]  }
0x2a: {  	p0 =	seq.s32 s5, $0x0;
	s5 =	sld [smem:$0x3FAB]  }
0x2b: {  	s6 =	sld [smem:$0x3FAC]  }
0x2c: {  	s7 =	sld [smem:$0x3FAD]  }
0x2d: {  	s3 =	simm.s32 $0x108;
	s8 =	sld [smem:$0x3FAE]  }
0x2e: {  	s3 =	simm.s32 @!p0 $0x1082;
	s9 =	sld [smem:$0x3FAF]  }
0x2f: {  	lr =	sadd.s32 s0, s3;
	s0 =	sld [smem:$0x3FA6]  }
0x30: {  	s3 =	sld [smem:$0x3FA9]  }
0x31: {  	[smem:$0x3FB2] =	sst s10  }
0x32: {  	s10 =	sld [smem:$0x3FB0];
	_ =	sdelay $0x3  }
0x33: {  	p0 =	seq.s32 s10, $0x1;
	s10 =	sld [smem:$0x3FB2];
	_ =	sdelay $0x3  }
0x34: {  	[smem:$0x3FB2] =	sst s10  }
0x35: {  	s10 =	sld [smem:$0x3FB1];
	_ =	sdelay $0x3  }
0x36: {  	p1 =	seq.s32 s10, $0x1;
	s10 =	sld [smem:$0x3FB2];
	_ =	sdelay $0x3  }
0x37: {  	[smem:$0x3FB2] =	sst s10  }
0x38: {  	s10 =	sld [smem:$0x3FB3]  }
0x39: {  	_ = 	snop;
	(pc) =	sbr.ind lr, $3  }
0x3a: {  	_ = 	snop  }
0x3b: {  	_ = 	snop  }
0x3c: {  	p2 =	seq.s32 s10, $0x1;
	s10 =	sld [smem:$0x3FB2]  }
0x3d: {  	_ =	shalt  }
0x3e: {  	_ =	shalt  }
0x3f: {  	_ =	shalt  }
0x40: {  	_ =	shalt  }
0x41: {  	_ =	shalt  }
0x42: {  	_ =	shalt  }
0x43: {  	_ =	shalt  }
0x44: {  	_ =	shalt  }
0x45: {  	_ =	shalt  }
0x46: {  	_ =	shalt  }
0x47: {  	_ =	shalt  }
0x48: {  	_ =	shalt  }
0x49: {  	_ =	shalt  }
0x4a: {  	_ =	shalt  }
0x4b: {  	_ =	shalt  }
0x4c: {  	_ =	shalt  }
0x4d: {  	_ =	shalt  }
0x4e: {  	_ =	shalt  }
0x4f: {  	_ =	shalt  }
0x50: {  	_ =	shalt  }
0x51: {  	_ =	shalt  }
0x52: {  	_ =	shalt  }
0x53: {  	_ =	shalt  }
0x54: {  	_ =	shalt  }
0x55: {  	_ =	shalt  }
0x56: {  	_ =	shalt  }
0x57: {  	_ =	shalt  }
0x58: {  	_ =	shalt  }
0x59: {  	_ =	shalt  }
0x5a: {  	_ =	shalt  }
0x5b: {  	_ =	shalt  }
0x5c: {  	_ =	shalt  }
0x5d: {  	_ =	shalt  }
0x5e: {  	_ =	shalt  }
0x5f: {  	_ =	shalt  }
0x60: {  	_ =	shalt  }
0x61: {  	_ =	shalt  }
0x62: {  	_ =	shalt  }
0x63: {  	_ =	shalt  }
0x64: {  	_ =	shalt  }
0x65: {  	_ =	shalt  }
0x66: {  	_ =	shalt  }
0x67: {  	_ =	shalt  }
0x68: {  	_ =	shalt  }
0x69: {  	_ =	shalt  }
0x6a: {  	_ =	shalt  }
0x6b: {  	_ =	shalt  }
0x6c: {  	_ =	shalt  }
0x6d: {  	_ =	shalt  }
0x6e: {  	_ =	shalt  }
0x6f: {  	_ =	shalt  }
0x70: {  	_ =	shalt  }
0x71: {  	_ =	shalt  }
0x72: {  	_ =	shalt  }
0x73: {  	_ =	shalt  }
0x74: {  	_ =	shalt  }
0x75: {  	_ =	shalt  }
0x76: {  	_ =	shalt  }
0x77: {  	_ =	shalt  }
0x78: {  	_ =	shalt  }
0x79: {  	_ =	shalt  }
0x7a: {  	_ =	shalt  }
0x7b: {  	_ =	shalt  }
0x7c: {  	_ =	shalt  }
0x7d: {  	_ =	shalt  }
0x7e: {  	_ =	shalt  }
0x7f: {  	_ =	shalt  }
0x80: {  	_ =	shalt  }
0x81: {  	_ =	shalt  }
0x82: {  	_ =	shalt  }
0x83: {  	_ =	shalt  }
0x84: {  	_ =	shalt  }
0x85: {  	_ =	shalt  }
0x86: {  	_ =	shalt  }
0x87: {  	_ =	shalt  }
.Lfunc_end0:
.L_simem_size_0:
called_computation_lowered:
.L_overlay_start_0:
0x88: {  	s2 =	sld [smem:$0x3FD9]  }
0x89: {  	s3 =	sld [smem:$0x3FFE];
	_ =	sdelay $0x1  }
0x8a: {  	s1 =	srdreg.scid  }
0x8b: {  	s0 =	sand.u32 $0x1, s1  }
0x8c: {  	s17 =	sshll.u32 s0, $0xA;
	s2 =	sadd.s32 s3, s2  }
0x8d: {  	s2 =	sadd.s32 s2, s17  }
0x8e: {  	[smem:$0x3FBE] =	sst s2  }
0x8f: {  	_ = 	snop  }
0x90: {  	s2 =	sld [smem:$0x3FC9];
	(tm) =	ssettm $0x1  }
0x91: {  	s18 =	sld [smem:$0x3FFB];
	_ =	sdelay $0x3  }
0x92: {  	_ =	strace s18  }
0x93: {  	s3 =	sld [smem:$0x3FFC];
	_ =	sdelay $0x3  }
0x94: {  	_ =	strace s3  }
0x95: {  	s3 =	sld [smem:$0x3FFD];
	_ =	sdelay $0x3  }
0x96: {  	_ =	strace s3  }
0x97: {  	_ =	strace $0x8FFFFFFF  }
0x98: {  	s19 =	sld [smem:$0x3FDB];
	_ =	sdelay $0x1  }
0x99: {  	s4 =	simm.s32 $_scs_section_size  }
0x9a: {  	s5 =	simm.s32 $_size__tile_overlayer_lowered;
	s6 =	simm.s32 $_tile_overlayer_lowered  }
0x9b: {  	s22 =	simm.s32 $0x1BFF;
	s21 =	sshll.u32 s6, $0x1;
	s3 =	sadd.s32 s4, s19  }
0x9c: {  	s7 =	simm.s32 $0x0;
	s20 =	sshll.u32 s5, $0x1;
	s5 =	sadd.s32 s21, s3  }
0x9d: {  	[timem:s7], [sflag:s22] =	dma.local [hbm:s5], s20  }
0x9e: {  	_ =	swait.ge [sflag:s22], s20  }
0x9f: {  	s4 =	ssub.s32 $0x0, s20;
	[sflag:s22] =	ssyncset.done $0x0  }
0xa0: {  	[sflag:s22] =	ssyncadd.s32 s4;
	_ =	sdelay $0x1  }
0xa1: {  	s23 =	simm.s32 $0x1B8B  }
0xa2: {  	_ =	swait.ge [sflag:s23], $0x1  }
0xa3: {  	[sflag:s23] =	ssyncset.done $0x0  }
0xa4: {  	s25 =	simm.s32 $0x1B8E;
	s24 =	sld [smem:$0x3FFE];
	[sflag:s23] =	ssyncadd.s32 $0xFFFFFFFF  }
0xa5: {  	s26 =	simm.s32 $execute0_lowered;
	[smem:$0x3FD2] =	sst s25  }
0xa6: {  	s5 =	sshll.u32 s26, $0x1;
	_ =	strace $0x80000046;
	[dreg:$0x1] =	wrdreg $0xFFFFFFFF  }
0xa7: {  	s28 =	simm.s32 $_size_execute0_lowered;
	s3 =	sadd.s32 s3, s5;
	[dreg:$0x0] =	wrdreg $0x0  }
0xa8: {  	s5 =	sshll.u32 s28, $0x1;
	[dreg:$0x2] =	wrdreg s3  }
0xa9: {  	[dreg:$0x3] =	wrdreg s5  }
0xaa: {  	[dreg:$0x4] =	wrdreg $0xC0  }
0xab: {  	_ =	task [dreg:s7], $0x5FFFF  }
0xac: {  	[dreg:$0x1] =	wrdreg $0xFFFFFFFF  }
0xad: {  	[dreg:$0x0] =	wrdreg $0x60  }
0xae: {  	[dreg:$0x2] =	wrdreg s2  }
0xaf: {  	[dreg:$0x3] =	wrdreg s24  }
0xb0: {  	[dreg:$0x4] =	wrdreg $0x82000  }
0xb1: {  	[dreg:$0x5] =	wrdreg $0x9  }
0xb2: {  	_ =	task.clear_ibuf [dreg:s7], $0x6FFFF;
	_ =	strace $0x90000046  }
0xb3: {  	s29 =	simm.s32 $0x9;
	_ =	strace $0x80000048  }
0xb4: {  	_ =	swait.ge [sflag:s29], $0x1  }
0xb5: {  	[sflag:s29] =	ssyncadd.s32 $0xFFFFFFFF  }
0xb6: {  	_ =	strace $0x90000048  }
0xb7: {  	_ =	sfence  }
0xb8: {  	s30 =	sld [smem:$0x0];
	_ =	sdelay $0x2  }
0xb9: {  	s31 =	sshll.u32 s1, $0xD;
	s1 =	sshrl.u32 s1, $0x2  }
0xba: {  	s3 =	sand.u32 $0x4000, s31;
	s1 =	sadd.s32 s1, s30  }
0xbb: {  	s0 =	sor.u32 s3, s0;
	s1 =	sshll.u32 s1, $0x11  }
0xbc: {  	s0 =	sor.u32 s1, s0  }
0xbd: {  	s0 =	sadd.s32 $0x8F2B, s0  }
0xbe: {  	[sflag:s0] =	ssyncadd.remote.s32 $0x1  }
0xbf: {  	_ =	sfence.sel $0xFFFF  }
0xc0: {  	[dreg:$0x0] =	wrdreg $0xFFFFFFFF;
	(pc) =	sbr.abs _section_cstart, $3  }
0xc1: {  	[dreg:$0x1] =	wrdreg $0xFFFFFFFF  }
0xc2: {  	_ =	task.clear_ibuf [dreg:s7], $0x2FFFF;
	_ =	strace $0x9FFFFFFF  }
0xc3: {  	(tm) =	ssettm $0x7FFFFFFF  }
tec
execute0_lowered:
.L_overlay_start_1:
0x0: {  	(tag) =	ssettag $0x1  }
0x1: {  	s1 =	rddreg [dreg:$0x0]  }
0x2: {  	s6 =	rddreg [dreg:$0x1]  }
0x3: {  	s3 =	rddreg [dreg:$0x2]  }
0x4: {  	s0 =	rddreg [dreg:$0x3]  }
0x5: {  	s4 =	simm.s32 $0x0;
	s5 =	srdreg.scid;
	s2 =	stileid.u32  }
0x6: {  	s17 =	simm.s32 $0x200;
	s18 =	simm.s32 $0x100;
	s19 =	simm.s32 $0x4200  }
0x7: {  	s20 =	simm.s32 $0x1;
	s21 =	simm.s32 $0x2;
	s22 =	simm.s32 $0x180  }
0x8: {  	[smem:$0x7FF] =	sst s4;
	s9 =	sand.u32 $0x1, s5;
	s8 =	smul.u32 $0x4E000, s2  }
0x9: {  	s23 =	sshll.u32 s2, $0x1;
	s10 =	sadd.s32 $0x1000, s6;
	s26 =	smul.u32 $0x13800, s2  }
0xa: {  	s5 =	sadd.s32 $0x15000, s6;
	s16 =	sadd.s32 $0x124800, s3;
	s29 =	smul.u32 $0x1400, s2  }
0xb: {  	s14 =	sadd.s32 $0x17800, s6;
	p0 =	seq.s32 s2, $0xF;
	s24 =	smul.u32 $0x138800, s9  }
0xc: {  	_ =	strace $0x80000047;
	s7 =	sor.u32 s9, s23;
	s30 =	smul.u32 $0xA00, s9  }
0xd: {  	s11 =	ssub.s32 $0x2, s9;
	s23 =	simm.s32 $0x0;
	s12 =	smul.u32 $0xA00, s7  }
0xe: {  	s13 =	sshrl.u32 s11, $0x1;
	s7 =	smul.u32 $0x5000, s7;
	s25 =	sshrl.u32 s8, $0x2  }
0xf: {  	s31 =	sadd.s32 s29, s10;
	s11 =	ssub.s32 s11, s13;
	s15 =	sadd.s32 s25, s3  }
0x10: {  	s8 =	sadd.s32 s26, s24;
	s28 =	sshrl.u32 s24, $0x3;
	s13 =	sshll.u32 @!p0 s2, $0x6  }
0x11: {  	s7 =	sshrl.u32 s7, $0x3;
	s6 =	sadd.s32 s10, s12;
	s8 =	sshrl.u32 s8, $0x3  }
0x12: {  	s12 =	sadd.s32 s14, s28;
	s13 =	sor.u32 @!p0 $0x1C03, s13;
	s7 =	sadd.s32 s10, s7  }
0x13: {  	s8 =	sadd.s32 s14, s8;
	s9 =	sadd.s32 $0x24900, s12;
	s10 =	smax.u32 s11, $0x1  }
0x14: {  	s11 =	sadd.s32 s30, s31;
	s12 =	sshrl.u32 @p0 s16, $0x3;
	s14 =	sshrl.u32 @!p0 s15, $0x3  }
0x15: {  	s15 =	simm.s32 $0x3;
	s16 =	simm.s32 $0x80;
	s7 =	sadd.s32 $0x9E0, s7  }
.LBB2_1:
0x16: {  	s24 =	simm.s32 @p0 $0x1FC3  }
0x17: {  	[spmem:s12], [sflag:s24] =	dma.local @p0 [hbm:s5], $0x2800  }
0x18: {  	s24 =	simm.s32 @p0 $0x3  }
0x19: {  	_ =	swait.ge @p0 [sflag:s24], $0x2800  }
0x1a: {  	[sflag:s24] =	ssyncset.done @p0 $0x0  }
0x1b: {  	[sflag:s24] =	ssyncadd.s32 @p0 $0xFFFFD800;
	s24 =	simm.s32 @!p0 $0x3  }
0x1c: {  	[spmem:s14], [sflag:s13] =	dma.local @!p0 [hbm:s5], $0x2700  }
0x1d: {  	_ =	swait.ge @!p0 [sflag:s24], $0x2700  }
0x1e: {  	[sflag:s24] =	ssyncset.done @!p0 $0x0  }
0x1f: {  	[sflag:s24] =	ssyncadd.s32 @!p0 $0xFFFFD900  }
0x20: {  	[bflag:$0x0] =	sbarrier.arrive $0xFFFF  }
0x21: {  	[tilespmem:s4], [sflag:$0x3] =	stream.linear.gather [hbm4b:s6+s4], $0x100, $0x38;
	[tilespmem:$0x1BE80] =	vst v63  }
0x22: {  	_ =	swait.ge [sflag:s15], $0x100  }
0x23: {  	[sflag:s15] =	ssyncset.done $0x0  }
0x24: {  	s31 =	sadd.s32 $0xFFFFF640, s11;
	[sflag:s15] =	ssyncadd.s32 $0xFFFFFF00  }
0x25: {  	[tilespmem:s17], [sflag:$0x1] =	stream.indirect.gather [hbm4b:s1+s16], $0x80, s4, s16, $0xb8;
	[tilespmem:$0x1BE80] =	vst v63  }
0x26: {  	s25 =	sadd.s32 $0x9E0, s31  }
0x27: {  	[tilespmem:s18], [sflag:$0x3] =	stream.linear.gather [hbm4b:s25+s4], $0x100, $0x38;
	[tilespmem:$0x1BE80] =	vst v63  }
0x28: {  	_ =	swait.ge [sflag:s15], $0x100  }
0x29: {  	[sflag:s15] =	ssyncset.done $0x0  }
0x2a: {  	[sflag:s15] =	ssyncadd.s32 $0xFFFFFF00  }
0x2b: {  	[tilespmem:s19], [sflag:$0x2] =	stream.indirect.gather [hbm4b:s1+s16], $0x80, s18, s16, $0xb8;
	[tilespmem:$0x1BE80] =	vst v63  }
0x2c: {  	_ =	swait.ge [sflag:s20], $0x4000  }
0x2d: {  	[sflag:s20] =	ssyncset.done $0x0  }
0x2e: {  	[sflag:s20] =	ssyncadd.s32 $0xFFFFC000  }
0x2f: {  	[spmem:s3] =	stream.indirect.scatter.add.f32 [tilespmem:s17], [sflag:$0x3], $0x80, s16, s16, $0xb8;
	[tilespmem:$0x1BE80] =	vst v63  }
0x30: {  	_ =	swait.ge [sflag:s15], $0x4000  }
0x31: {  	[sflag:s15] =	ssyncset.done $0x0  }
0x32: {  	s24 =	sadd.s32 $0xA00, s31;
	[sflag:s15] =	ssyncadd.s32 $0xFFFFC000  }
0x33: {  	[tilespmem:s4], [sflag:$0x3] =	stream.linear.gather [hbm4b:s24+s4], $0x100, $0x38;
	[tilespmem:$0x1BE80] =	vst v63  }
0x34: {  	_ =	swait.ge [sflag:s15], $0x100  }
0x35: {  	[sflag:s15] =	ssyncset.done $0x0  }
0x36: {  	[sflag:s15] =	ssyncadd.s32 $0xFFFFFF00  }
0x37: {  	[tilespmem:s17], [sflag:$0x1] =	stream.indirect.gather [hbm4b:s1+s16], $0x80, s4, s16, $0xb8;
	[tilespmem:$0x1BE80] =	vst v63  }
0x38: {  	_ =	swait.ge [sflag:s21], $0x4000  }
0x39: {  	[sflag:s21] =	ssyncset.done $0x0  }
0x3a: {  	[sflag:s21] =	ssyncadd.s32 $0xFFFFC000  }
0x3b: {  	[spmem:s3] =	stream.indirect.scatter.add.f32 [tilespmem:s19], [sflag:$0x3], $0x80, s22, s16, $0xb8;
	[tilespmem:$0x1BE80] =	vst v63  }
0x3c: {  	_ =	swait.ge [sflag:s15], $0x4000  }
0x3d: {  	s25 =	simm.s32 $0xFFFFF6C0;
	s24 =	sadd.s32 $0xFFFFF680, s11;
	[sflag:s15] =	ssyncset.done $0x0  }
.LBB2_2:
0x3e: {  	s26 =	sadd.s32 $0x9E0, s24  }
0x3f: {  	[sflag:s15] =	ssyncadd.s32 $0xFFFFC000;
	s28 =	smov.u32 s25;
	s29 =	sadd.s32 $0x40, s25  }
0x40: {  	[tilespmem:s18], [sflag:$0x3] =	stream.linear.gather [hbm4b:s26+s4], $0x100, $0x38;
	[tilespmem:$0x1BE80] =	vst v63  }
0x41: {  	p1 =	sne.s32 s25, $0xFFFFFFC0;
	_ =	swait.ge [sflag:s15], $0x100  }
0x42: {  	[sflag:s15] =	ssyncset.done $0x0  }
0x43: {  	[sflag:s15] =	ssyncadd.s32 $0xFFFFFF00  }
0x44: {  	[tilespmem:s19], [sflag:$0x2] =	stream.indirect.gather [hbm4b:s1+s16], $0x80, s18, s16, $0xb8;
	[tilespmem:$0x1BE80] =	vst v63  }
0x45: {  	_ =	swait.ge [sflag:s20], $0x4000  }
0x46: {  	[sflag:s20] =	ssyncset.done $0x0  }
0x47: {  	[sflag:s20] =	ssyncadd.s32 $0xFFFFC000  }
0x48: {  	[spmem:s3] =	stream.indirect.scatter.add.f32 [tilespmem:s17], [sflag:$0x3], $0x80, s16, s16, $0xb8;
	[tilespmem:$0x1BE80] =	vst v63  }
0x49: {  	_ =	swait.ge [sflag:s15], $0x4000  }
0x4a: {  	[sflag:s15] =	ssyncset.done $0x0  }
0x4b: {  	s24 =	sadd.s32 $0xA00, s24;
	[sflag:s15] =	ssyncadd.s32 $0xFFFFC000  }
0x4c: {  	[tilespmem:s4], [sflag:$0x3] =	stream.linear.gather [hbm4b:s24+s4], $0x100, $0x38;
	[tilespmem:$0x1BE80] =	vst v63  }
0x4d: {  	_ =	swait.ge [sflag:s15], $0x100  }
0x4e: {  	[sflag:s15] =	ssyncset.done $0x0  }
0x4f: {  	[sflag:s15] =	ssyncadd.s32 $0xFFFFFF00  }
0x50: {  	[tilespmem:s17], [sflag:$0x1] =	stream.indirect.gather [hbm4b:s1+s16], $0x80, s4, s16, $0xb8;
	[tilespmem:$0x1BE80] =	vst v63  }
0x51: {  	_ =	swait.ge [sflag:s21], $0x4000  }
.Ltmp0:
0x52: {  	[sflag:s21] =	ssyncset.done $0x0;
	(pc) =	sbr.rel @p1 .LBB2_2-.Ltmp0, $4  }
0x53: {  	[sflag:s21] =	ssyncadd.s32 $0xFFFFC000  }
0x54: {  	[spmem:s3] =	stream.indirect.scatter.add.f32 [tilespmem:s19], [sflag:$0x3], $0x80, s22, s16, $0xb8;
	[tilespmem:$0x1BE80] =	vst v63  }
0x55: {  	_ =	swait.ge [sflag:s15], $0x4000  }
0x56: {  	s25 =	smov.u32 s29;
	s24 =	sadd.s32 s28, s11;
	[sflag:s15] =	ssyncset.done $0x0  }
0x57: {  	s25 =	sadd.s32 $0x9E0, s24;
	[sflag:s15] =	ssyncadd.s32 $0xFFFFC000  }
0x58: {  	[tilespmem:s18], [sflag:$0x3] =	stream.linear.gather [hbm4b:s25+s4], $0x100, $0x38;
	[tilespmem:$0x1BE80] =	vst v63  }
0x59: {  	_ =	swait.ge [sflag:s15], $0x100  }
0x5a: {  	[sflag:s15] =	ssyncset.done $0x0  }
0x5b: {  	[sflag:s15] =	ssyncadd.s32 $0xFFFFFF00  }
0x5c: {  	[tilespmem:s19], [sflag:$0x2] =	stream.indirect.gather [hbm4b:s1+s16], $0x80, s18, s16, $0xb8;
	[tilespmem:$0x1BE80] =	vst v63  }
0x5d: {  	_ =	swait.ge [sflag:s20], $0x4000  }
0x5e: {  	[sflag:s20] =	ssyncset.done $0x0  }
0x5f: {  	[sflag:s20] =	ssyncadd.s32 $0xFFFFC000  }
0x60: {  	[spmem:s3] =	stream.indirect.scatter.add.f32 [tilespmem:s17], [sflag:$0x3], $0x80, s16, s16, $0xb8;
	[tilespmem:$0x1BE80] =	vst v63  }
0x61: {  	_ =	swait.ge [sflag:s15], $0x4000  }
0x62: {  	[sflag:s15] =	ssyncset.done $0x0  }
0x63: {  	s31 =	sadd.s32 $0xA00, s24;
	[sflag:s15] =	ssyncadd.s32 $0xFFFFC000  }
0x64: {  	[tilespmem:s4], [sflag:$0x3] =	stream.linear.gather [hbm4b:s31+s4], $0x100, $0x38;
	[tilespmem:$0x1BE80] =	vst v63  }
0x65: {  	_ =	swait.ge [sflag:s15], $0x100  }
0x66: {  	[sflag:s15] =	ssyncset.done $0x0  }
0x67: {  	[sflag:s15] =	ssyncadd.s32 $0xFFFFFF00  }
0x68: {  	[tilespmem:s17], [sflag:$0x1] =	stream.indirect.gather [hbm4b:s1+s16], $0x80, s4, s16, $0xb8;
	[tilespmem:$0x1BE80] =	vst v63  }
0x69: {  	_ =	swait.ge [sflag:s21], $0x4000  }
0x6a: {  	[sflag:s21] =	ssyncset.done $0x0  }
0x6b: {  	[sflag:s21] =	ssyncadd.s32 $0xFFFFC000  }
0x6c: {  	[spmem:s3] =	stream.indirect.scatter.add.f32 [tilespmem:s19], [sflag:$0x3], $0x80, s22, s16, $0xb8;
	[tilespmem:$0x1BE80] =	vst v63  }
0x6d: {  	_ =	swait.ge [sflag:s15], $0x4000  }
0x6e: {  	[sflag:s15] =	ssyncset.done $0x0  }
0x6f: {  	[sflag:s15] =	ssyncadd.s32 $0xFFFFC000  }
0x70: {  	[tilespmem:s18], [sflag:$0x3] =	stream.linear.gather [hbm4b:s7+s4], $0x100, $0x38;
	[tilespmem:$0x1BE80] =	vst v63  }
0x71: {  	_ =	swait.ge [sflag:s15], $0x100  }
0x72: {  	[sflag:s15] =	ssyncset.done $0x0  }
0x73: {  	[sflag:s15] =	ssyncadd.s32 $0xFFFFFF00  }
0x74: {  	[tilespmem:s19], [sflag:$0x2] =	stream.indirect.gather [hbm4b:s1+s16], $0x80, s18, s16, $0xb8;
	[tilespmem:$0x1BE80] =	vst v63  }
0x75: {  	_ =	swait.ge [sflag:s20], $0x4000  }
0x76: {  	[sflag:s20] =	ssyncset.done $0x0  }
0x77: {  	[sflag:s20] =	ssyncadd.s32 $0xFFFFC000  }
0x78: {  	[spmem:s3] =	stream.indirect.scatter.add.f32 [tilespmem:s17], [sflag:$0x3], $0x80, s16, s16, $0xb8;
	[tilespmem:$0x1BE80] =	vst v63  }
0x79: {  	_ =	swait.ge [sflag:s15], $0x4000  }
0x7a: {  	[sflag:s15] =	ssyncset.done $0x0  }
0x7b: {  	[sflag:s15] =	ssyncadd.s32 $0xFFFFC000  }
0x7c: {  	_ =	swait.ge [sflag:s21], $0x4000  }
0x7d: {  	[sflag:s21] =	ssyncset.done $0x0  }
0x7e: {  	[sflag:s21] =	ssyncadd.s32 $0xFFFFC000  }
0x7f: {  	[spmem:s3] =	stream.indirect.scatter.add.f32 [tilespmem:s19], [sflag:$0x3], $0x80, s22, s16, $0xb8;
	[tilespmem:$0x1BE80] =	vst v63  }
0x80: {  	_ =	swait.ge [sflag:s15], $0x4000  }
0x81: {  	[sflag:s15] =	ssyncset.done $0x0  }
0x82: {  	[sflag:s15] =	ssyncadd.s32 $0xFFFFC000  }
0x83: {  	s24 =	simm.s32 @p0 $0x1FC3;
	[bflag:$0x0] =	sbarrier.arrive $0xFFFF  }
0x84: {  	[hbm:s9], [sflag:s24] =	dma.local @p0 [spmem:s12], $0x2800  }
0x85: {  	s24 =	simm.s32 @p0 $0x3  }
0x86: {  	s23 =	sadd.s32 $0x1, s23;
	_ =	swait.ge @p0 [sflag:s24], $0x2800  }
0x87: {  	p1 =	sne.s32 s23, s10;
	[sflag:s24] =	ssyncset.done @p0 $0x0  }
.Ltmp1:
0x88: {  	[sflag:s24] =	ssyncadd.s32 @p0 $0xFFFFD800;
	s24 =	simm.s32 @!p0 $0x3;
	(pc) =	sbr.rel @p1 .LBB2_1-.Ltmp1, $4  }
0x89: {  	[hbm:s8], [sflag:s13] =	dma.local @!p0 [spmem:s14], $0x2700  }
0x8a: {  	_ =	swait.ge @!p0 [sflag:s24], $0x2700  }
0x8b: {  	[sflag:s24] =	ssyncset.done @!p0 $0x0  }
0x8c: {  	[sflag:s24] =	ssyncadd.s32 @!p0 $0xFFFFD900  }
0x8d: {  	_ =	sfence.sel $0x180000  }
0x8e: {  	[bflag:$0x0] =	sbarrier.arrive $0xFFFF  }
0x8f: {  	p0 =	sne.s32 s2, $0x0;
	_ =	strace $0x90000047  }
0x90: {  	s0 =	sadd.s32 @!p0 $0x100000, s0;
	[bflag:$0x2] =	sbarrier.arrive $0xFFFF  }
0x91: {  	[sflag:s0] =	ssyncadd.tile.s32 @!p0 $0x1;
	_ =	shalt  }
.Lfunc_end2:
_tile_overlayer_lowered:
.L_overlay_start_2:
0x92: {  	(tag) =	ssettag $0x2  }
0x93: {  	s0 =	rddreg [dreg:$0x0];
	s2 =	stileid.u32  }
0x94: {  	s1 =	rddreg [dreg:$0x1];
	p0 =	sne.s32 s2, $0x0  }
0x95: {  	s3 =	rddreg [dreg:$0x2];
	[bflag:$0x3] =	sbarrier.arrive $0xFFFF;
	s2 =	simm.s32 @!p0 $0x1C03  }
0x96: {  	[timem:s3], [sflag:s2] =	dma.local @!p0 [hbm:s0], s1  }
0x97: {  	s0 =	simm.s32 @!p0 $0x3  }
0x98: {  	_ =	swait.ge @!p0 [sflag:s0], s1  }
0x99: {  	s1 =	ssub.s32 @!p0 $0x0, s1;
	[sflag:s0] =	ssyncset.done @!p0 $0x0  }
0x9a: {  	[sflag:s0] =	ssyncadd.s32 @!p0 s1  }
0x9b: {  	[bflag:$0x3] =	sbarrier.arrive $0xFFFF  }
0x9c: {  	_ =	shalt  }

</sc_bundles>
